<compile_context>
chip_gen: v7x
topology: tpu7x:2x2x1
jax: 0.10.2.dev20260603
libtpu: 0.0.44.dev20260713+nightly
codegen_flags: <defaults>
</compile_context>

<pallas_src>
import jax
import jax.numpy as jnp
from jax import lax
from jax.experimental import pallas as pl
from jax.experimental.pallas import tpu as pltpu
from jax.experimental.pallas import tpu_sc as plsc

BATCH = 16384
EMB = 128
HID = EMB // 2
NWORKER = 32
PER_W = BATCH // NWORKER
WIN = 128
NWIN = PER_W // WIN
BLK = 8192
ROWTILES = BLK // 128


def _sc_gather(user, item, user_table, item_table):
    mesh = plsc.VectorSubcoreMesh(core_axis_name="core", subcore_axis_name="subcore")
    out_type = (
        jax.ShapeDtypeStruct((BATCH, EMB), jnp.float32),
        jax.ShapeDtypeStruct((BATCH, EMB), jnp.float32),
    )
    scratch = [
        pltpu.VMEM((PER_W,), jnp.int32),
        pltpu.VMEM((PER_W,), jnp.int32),
        pltpu.VMEM((3, WIN, EMB), jnp.float32),
        pltpu.VMEM((3, WIN, EMB), jnp.float32),
    ] + [pltpu.SemaphoreType.DMA] * 14

    @pl.kernel(out_type=out_type, mesh=mesh, scratch_types=scratch)
    def gather_kernel(u_hbm, i_hbm, ut_hbm, it_hbm, uo_hbm, io_hbm,
                      uidx, iidx, ubuf, ibuf,
                      gu0, gu1, gu2, gi0, gi1, gi2,
                      wu0, wu1, wu2, wi0, wi1, wi2, xu, xi):
        gu = (gu0, gu1, gu2)
        gi = (gi0, gi1, gi2)
        wu = (wu0, wu1, wu2)
        wi = (wi0, wi1, wi2)
        wid = lax.axis_index("subcore") * 2 + lax.axis_index("core")
        base = wid * PER_W

        lu = pltpu.async_copy(u_hbm.at[pl.ds(base, PER_W)], uidx, xu)
        li = pltpu.async_copy(i_hbm.at[pl.ds(base, PER_W)], iidx, xi)
        lu.wait()
        li.wait()

        def start_gather(w):
            b = w % 3
            cu = pltpu.async_copy(
                ut_hbm.at[uidx.at[pl.ds(w * WIN, WIN)]], ubuf.at[b], gu[b])
            ci = pltpu.async_copy(
                it_hbm.at[iidx.at[pl.ds(w * WIN, WIN)]], ibuf.at[b], gi[b])
            return cu, ci

        def start_write(w):
            b = w % 3
            cu = pltpu.async_copy(
                ubuf.at[b], uo_hbm.at[pl.ds(base + w * WIN, WIN)], wu[b])
            ci = pltpu.async_copy(
                ibuf.at[b], io_hbm.at[pl.ds(base + w * WIN, WIN)], wi[b])
            return cu, ci

        gathers = [None] * NWIN
        writes = [None] * NWIN
        gathers[0] = start_gather(0)
        gathers[1] = start_gather(1)
        for w in range(NWIN):
            if w + 2 < NWIN:
                if w - 1 >= 0:
                    writes[w - 1][0].wait()
                    writes[w - 1][1].wait()
                gathers[w + 2] = start_gather(w + 2)
            gathers[w][0].wait()
            gathers[w][1].wait()
            writes[w] = start_write(w)
        for w in range(max(0, NWIN - 3), NWIN):
            writes[w][0].wait()
            writes[w][1].wait()

    return gather_kernel(user, item, user_table, item_table)


def _dot_t(x, w):
    return lax.dot_general(x, w, (((1,), (1,)), ((), ())),
                           preferred_element_type=jnp.float32)


def _mlp_body(ue_ref, ie_ref, w1_ref, b1_ref, w2_ref, b2_ref,
              w3_ref, b3_ref, o_ref):
    h = _dot_t(ue_ref[...], w1_ref[:, :EMB])
    h = h + _dot_t(ie_ref[...], w1_ref[:, EMB:])
    h = jnp.maximum(h + b1_ref[...], 0.0)
    h2 = jnp.maximum(_dot_t(h, w2_ref[...]) + b2_ref[...], 0.0)
    res = jnp.sum(h2 * w3_ref[...], axis=1) + b3_ref[0, 0]
    o_ref[...] = res.reshape(ROWTILES, 128)


def _tc_mlp(ue, ie, W1, b1, W2, b2, w3, b3):
    grid = (BATCH // BLK,)
    return pl.pallas_call(
        _mlp_body,
        grid=grid,
        in_specs=[
            pl.BlockSpec((BLK, EMB), lambda i: (i, 0)),
            pl.BlockSpec((BLK, EMB), lambda i: (i, 0)),
            pl.BlockSpec((EMB, 2 * EMB), lambda i: (0, 0)),
            pl.BlockSpec((1, EMB), lambda i: (0, 0)),
            pl.BlockSpec((HID, EMB), lambda i: (0, 0)),
            pl.BlockSpec((1, HID), lambda i: (0, 0)),
            pl.BlockSpec((1, HID), lambda i: (0, 0)),
            pl.BlockSpec((1, 1), lambda i: (0, 0)),
        ],
        out_specs=pl.BlockSpec((ROWTILES, 128), lambda i: (i, 0)),
        out_shape=jax.ShapeDtypeStruct((BATCH // 128, 128), jnp.float32),
    )(ue, ie, W1, b1, W2, b2, w3, b3)


def kernel(user, item, user_table, item_table, W1, b1, W2, b2, W3, b3):
    ue, ie = _sc_gather(user.astype(jnp.int32), item.astype(jnp.int32),
                        user_table, item_table)
    out = _tc_mlp(
        ue, ie,
        W1, b1.reshape(1, EMB),
        W2, b2.reshape(1, HID),
        W3.reshape(1, HID), b3.reshape(1, 1),
    )
    return out.reshape(BATCH)

# --- scband reference (transcript-rebuilt; emitter-appended) ---
"""Pipeline reference for scband-ncf-19679540150827 (READ-ONLY COPY).

The authoritative reference and input builder live on the scoring server;
editing this copy changes nothing except your own understanding.
"""

import jax, jax.numpy as jnp
import numpy as np

N_USERS = 100000
N_ITEMS = 1000000
EMB_DIM = 128
BATCH = 16384

def setup_inputs(seed: int = 0) -> dict:
    key = jax.random.key(seed)
    ks = jax.random.split(key, 10)
    user = jax.random.randint(ks[0], (BATCH,), 0, N_USERS, dtype=jnp.int64 if jax.config.jax_enable_x64 else jnp.int32)
    item = jax.random.randint(ks[1], (BATCH,), 0, N_ITEMS, dtype=jnp.int64 if jax.config.jax_enable_x64 else jnp.int32)
    user_table = jax.random.normal(ks[2], (N_USERS, EMB_DIM), dtype=jnp.float32) * (2.0 / (N_USERS + EMB_DIM)) ** 0.5
    item_table = jax.random.normal(ks[3], (N_ITEMS, EMB_DIM), dtype=jnp.float32) * (2.0 / (N_ITEMS + EMB_DIM)) ** 0.5
    # torch Linear weights: [out, in]
    W1 = jax.random.normal(ks[4], (EMB_DIM, EMB_DIM * 2), dtype=jnp.float32) * (2.0 / (EMB_DIM * 2)) ** 0.5
    b1 = jnp.zeros((EMB_DIM,), dtype=jnp.float32)
    W2 = jax.random.normal(ks[5], (EMB_DIM // 2, EMB_DIM), dtype=jnp.float32) * (2.0 / EMB_DIM) ** 0.5
    b2 = jnp.zeros((EMB_DIM // 2,), dtype=jnp.float32)
    W3 = jax.random.normal(ks[6], (1, EMB_DIM // 2), dtype=jnp.float32) * (2.0 / (EMB_DIM // 2)) ** 0.5
    b3 = jnp.zeros((1,), dtype=jnp.float32)
    return {"user": user, "item": item, "user_table": user_table, "item_table": item_table,
            "W1": W1, "b1": b1, "W2": W2, "b2": b2, "W3": W3, "b3": b3}

def reference(user, item, user_table, item_table, W1, b1, W2, b2, W3, b3):
    # Embedding lookups (SparseCore-friendly gathers)
    user_emb = jnp.take(user_table, user, axis=0)
    item_emb = jnp.take(item_table, item, axis=0)
    concat = jnp.concatenate([user_emb, item_emb], axis=-1)
    # MLP (dropout is identity in eval mode)
    h = jnp.maximum(concat @ W1.T + b1, 0.0)
    h = jnp.maximum(h @ W2.T + b2, 0.0)
    out = h @ W3.T + b3
    return jnp.squeeze(out, axis=-1)

if __name__ == "__main__":
    import jax
    _d = setup_inputs()
    print(jax.jit(kernel)(*tuple(_d.values())))

</pallas_src>

<mosaic_0001>
#map = affine_map<(d0, d1) -> (0)>
#map1 = affine_map<(d0, d1) -> (0, 0)>
module attributes {stable_mosaic.version = 14 : i64} {
  func.func @gather_kernel(%arg0: i32, %arg1: i32, %arg2: memref<16384xi32, #tpu.memory_space<hbm>>, %arg3: memref<16384xi32, #tpu.memory_space<hbm>>, %arg4: memref<100000x128xf32, #tpu.memory_space<hbm>>, %arg5: memref<1000000x128xf32, #tpu.memory_space<hbm>>, %arg6: memref<16384x128xf32, #tpu.memory_space<hbm>>, %arg7: memref<16384x128xf32, #tpu.memory_space<hbm>>, %arg8: memref<512xi32, #tpu.memory_space<vmem>>, %arg9: memref<512xi32, #tpu.memory_space<vmem>>, %arg10: memref<3x128x128xf32, #tpu.memory_space<vmem>>, %arg11: memref<3x128x128xf32, #tpu.memory_space<vmem>>, %arg12: memref<!tpu.dma_semaphore, #tpu.memory_space<semaphore_mem>>, %arg13: memref<!tpu.dma_semaphore, #tpu.memory_space<semaphore_mem>>, %arg14: memref<!tpu.dma_semaphore, #tpu.memory_space<semaphore_mem>>, %arg15: memref<!tpu.dma_semaphore, #tpu.memory_space<semaphore_mem>>, %arg16: memref<!tpu.dma_semaphore, #tpu.memory_space<semaphore_mem>>, %arg17: memref<!tpu.dma_semaphore, #tpu.memory_space<semaphore_mem>>, %arg18: memref<!tpu.dma_semaphore, #tpu.memory_space<semaphore_mem>>, %arg19: memref<!tpu.dma_semaphore, #tpu.memory_space<semaphore_mem>>, %arg20: memref<!tpu.dma_semaphore, #tpu.memory_space<semaphore_mem>>, %arg21: memref<!tpu.dma_semaphore, #tpu.memory_space<semaphore_mem>>, %arg22: memref<!tpu.dma_semaphore, #tpu.memory_space<semaphore_mem>>, %arg23: memref<!tpu.dma_semaphore, #tpu.memory_space<semaphore_mem>>, %arg24: memref<!tpu.dma_semaphore, #tpu.memory_space<semaphore_mem>>, %arg25: memref<!tpu.dma_semaphore, #tpu.memory_space<semaphore_mem>>) attributes {dimension_semantics = [#tpu.dimension_semantics<core_parallel>, #tpu.dimension_semantics<subcore_parallel>], iteration_bounds = array<i64: 2, 16>, scalar_prefetch = 0 : i64, scratch_operands = 18 : i64, tpu.core_type = #tpu.core_type<sc_vector_subcore>, window_params = [{transform_indices = #map}, {transform_indices = #map}, {transform_indices = #map1}, {transform_indices = #map1}, {transform_indices = #map1}, {transform_indices = #map1}]} {
    %mul3A = arith.constant 2 : i32
    %mul3A_0 = arith.muli %arg1, %mul3A : i32
    %add3A = arith.addi %mul3A_0, %arg0 : i32
    %mul3A_1 = arith.constant 512 : i32
    %mul3A_2 = arith.muli %add3A, %mul3A_1 : i32
    %dma_start3A = tpu.memref_slice %arg2[%mul3A_2] : memref<16384xi32, #tpu.memory_space<hbm>> -> memref<512xi32, #tpu.memory_space<hbm>>
    %dma_start3A_3 = tpu.memref_slice %arg2[%mul3A_2] : memref<16384xi32, #tpu.memory_space<hbm>> -> memref<512xi32, #tpu.memory_space<hbm>>
    tpu.enqueue_dma source(%dma_start3A_3 : memref<512xi32, #tpu.memory_space<hbm>>) target(%arg8 : memref<512xi32, #tpu.memory_space<vmem>>) target_semaphore(%arg24 : memref<!tpu.dma_semaphore, #tpu.memory_space<semaphore_mem>>)
    %dma_start3A_4 = tpu.memref_slice %arg3[%mul3A_2] : memref<16384xi32, #tpu.memory_space<hbm>> -> memref<512xi32, #tpu.memory_space<hbm>>
    %dma_start3A_5 = tpu.memref_slice %arg3[%mul3A_2] : memref<16384xi32, #tpu.memory_space<hbm>> -> memref<512xi32, #tpu.memory_space<hbm>>
    tpu.enqueue_dma source(%dma_start3A_5 : memref<512xi32, #tpu.memory_space<hbm>>) target(%arg9 : memref<512xi32, #tpu.memory_space<vmem>>) target_semaphore(%arg25 : memref<!tpu.dma_semaphore, #tpu.memory_space<semaphore_mem>>)
    %dma_wait3A = tpu.memref_slice %arg2[%mul3A_2] : memref<16384xi32, #tpu.memory_space<hbm>> -> memref<512xi32, #tpu.memory_space<hbm>>
    %dma_wait3A_6 = tpu.memref_slice %arg2[%mul3A_2] : memref<16384xi32, #tpu.memory_space<hbm>> -> memref<512xi32, #tpu.memory_space<hbm>>
    tpu.wait_dma2 semaphore(%arg24 : memref<!tpu.dma_semaphore, #tpu.memory_space<semaphore_mem>>) src(%dma_wait3A_6 : memref<512xi32, #tpu.memory_space<hbm>>) dst(%arg8 : memref<512xi32, #tpu.memory_space<vmem>>)
    %dma_wait3A_7 = tpu.memref_slice %arg3[%mul3A_2] : memref<16384xi32, #tpu.memory_space<hbm>> -> memref<512xi32, #tpu.memory_space<hbm>>
    %dma_wait3A_8 = tpu.memref_slice %arg3[%mul3A_2] : memref<16384xi32, #tpu.memory_space<hbm>> -> memref<512xi32, #tpu.memory_space<hbm>>
    tpu.wait_dma2 semaphore(%arg25 : memref<!tpu.dma_semaphore, #tpu.memory_space<semaphore_mem>>) src(%dma_wait3A_8 : memref<512xi32, #tpu.memory_space<hbm>>) dst(%arg9 : memref<512xi32, #tpu.memory_space<vmem>>)
    %dma_start3A_9 = arith.constant 0 : i32
    %dma_start3A_10 = arith.constant 0 : i32
    %dma_start3A_11 = arith.constant 0 : i32
    %dma_start3A_12 = tpu.memref_slice %arg10[%dma_start3A_9, %dma_start3A_10, %dma_start3A_11] : memref<3x128x128xf32, #tpu.memory_space<vmem>> -> memref<1x128x128xf32, #tpu.memory_space<vmem>>
    %dma_start3A_13 = tpu.memref_squeeze %dma_start3A_12 : memref<1x128x128xf32, #tpu.memory_space<vmem>> -> memref<128x128xf32, #tpu.memory_space<vmem>>
    %dma_start3A_14 = arith.constant 0 : i32
    %dma_start3A_15 = tpu.memref_slice %arg8[%dma_start3A_14] : memref<512xi32, #tpu.memory_space<vmem>> -> memref<128xi32, #tpu.memory_space<vmem>>
    %dma_start3A_16 = arith.constant 0 : i32
    %dma_start3A_17 = arith.constant 0 : i32
    %dma_start3A_18 = tpu.memref_slice %arg4[%dma_start3A_16, %dma_start3A_17] : memref<100000x128xf32, #tpu.memory_space<hbm>> -> memref<100000x128xf32, #tpu.memory_space<hbm>>
    tpu.enqueue_indirect_dma source(%dma_start3A_18 : memref<100000x128xf32, #tpu.memory_space<hbm>>) target(%dma_start3A_13 : memref<128x128xf32, #tpu.memory_space<vmem>>) offsets(%dma_start3A_15 : memref<128xi32, #tpu.memory_space<vmem>>) semaphore(%arg12 : memref<!tpu.dma_semaphore, #tpu.memory_space<semaphore_mem>>)
    %dma_start3A_19 = arith.constant 0 : i32
    %dma_start3A_20 = arith.constant 0 : i32
    %dma_start3A_21 = arith.constant 0 : i32
    %dma_start3A_22 = tpu.memref_slice %arg11[%dma_start3A_19, %dma_start3A_20, %dma_start3A_21] : memref<3x128x128xf32, #tpu.memory_space<vmem>> -> memref<1x128x128xf32, #tpu.memory_space<vmem>>
    %dma_start3A_23 = tpu.memref_squeeze %dma_start3A_22 : memref<1x128x128xf32, #tpu.memory_space<vmem>> -> memref<128x128xf32, #tpu.memory_space<vmem>>
    %dma_start3A_24 = arith.constant 0 : i32
    %dma_start3A_25 = tpu.memref_slice %arg9[%dma_start3A_24] : memref<512xi32, #tpu.memory_space<vmem>> -> memref<128xi32, #tpu.memory_space<vmem>>
    %dma_start3A_26 = arith.constant 0 : i32
    %dma_start3A_27 = arith.constant 0 : i32
    %dma_start3A_28 = tpu.memref_slice %arg5[%dma_start3A_26, %dma_start3A_27] : memref<1000000x128xf32, #tpu.memory_space<hbm>> -> memref<1000000x128xf32, #tpu.memory_space<hbm>>
    tpu.enqueue_indirect_dma source(%dma_start3A_28 : memref<1000000x128xf32, #tpu.memory_space<hbm>>) target(%dma_start3A_23 : memref<128x128xf32, #tpu.memory_space<vmem>>) offsets(%dma_start3A_25 : memref<128xi32, #tpu.memory_space<vmem>>) semaphore(%arg15 : memref<!tpu.dma_semaphore, #tpu.memory_space<semaphore_mem>>)
    %dma_start3A_29 = arith.constant 1 : i32
    %dma_start3A_30 = arith.constant 0 : i32
    %dma_start3A_31 = arith.constant 0 : i32
    %dma_start3A_32 = tpu.memref_slice %arg10[%dma_start3A_29, %dma_start3A_30, %dma_start3A_31] : memref<3x128x128xf32, #tpu.memory_space<vmem>> -> memref<1x128x128xf32, #tpu.memory_space<vmem>>
    %dma_start3A_33 = tpu.memref_squeeze %dma_start3A_32 : memref<1x128x128xf32, #tpu.memory_space<vmem>> -> memref<128x128xf32, #tpu.memory_space<vmem>>
    %dma_start3A_34 = arith.constant 128 : i32
    %dma_start3A_35 = tpu.memref_slice %arg8[%dma_start3A_34] : memref<512xi32, #tpu.memory_space<vmem>> -> memref<128xi32, #tpu.memory_space<vmem>>
    %dma_start3A_36 = arith.constant 0 : i32
    %dma_start3A_37 = arith.constant 0 : i32
    %dma_start3A_38 = tpu.memref_slice %arg4[%dma_start3A_36, %dma_start3A_37] : memref<100000x128xf32, #tpu.memory_space<hbm>> -> memref<100000x128xf32, #tpu.memory_space<hbm>>
    tpu.enqueue_indirect_dma source(%dma_start3A_38 : memref<100000x128xf32, #tpu.memory_space<hbm>>) target(%dma_start3A_33 : memref<128x128xf32, #tpu.memory_space<vmem>>) offsets(%dma_start3A_35 : memref<128xi32, #tpu.memory_space<vmem>>) semaphore(%arg13 : memref<!tpu.dma_semaphore, #tpu.memory_space<semaphore_mem>>)
    %dma_start3A_39 = arith.constant 1 : i32
    %dma_start3A_40 = arith.constant 0 : i32
    %dma_start3A_41 = arith.constant 0 : i32
    %dma_start3A_42 = tpu.memref_slice %arg11[%dma_start3A_39, %dma_start3A_40, %dma_start3A_41] : memref<3x128x128xf32, #tpu.memory_space<vmem>> -> memref<1x128x128xf32, #tpu.memory_space<vmem>>
    %dma_start3A_43 = tpu.memref_squeeze %dma_start3A_42 : memref<1x128x128xf32, #tpu.memory_space<vmem>> -> memref<128x128xf32, #tpu.memory_space<vmem>>
    %dma_start3A_44 = arith.constant 128 : i32
    %dma_start3A_45 = tpu.memref_slice %arg9[%dma_start3A_44] : memref<512xi32, #tpu.memory_space<vmem>> -> memref<128xi32, #tpu.memory_space<vmem>>
    %dma_start3A_46 = arith.constant 0 : i32
    %dma_start3A_47 = arith.constant 0 : i32
    %dma_start3A_48 = tpu.memref_slice %arg5[%dma_start3A_46, %dma_start3A_47] : memref<1000000x128xf32, #tpu.memory_space<hbm>> -> memref<1000000x128xf32, #tpu.memory_space<hbm>>
    tpu.enqueue_indirect_dma source(%dma_start3A_48 : memref<1000000x128xf32, #tpu.memory_space<hbm>>) target(%dma_start3A_43 : memref<128x128xf32, #tpu.memory_space<vmem>>) offsets(%dma_start3A_45 : memref<128xi32, #tpu.memory_space<vmem>>) semaphore(%arg16 : memref<!tpu.dma_semaphore, #tpu.memory_space<semaphore_mem>>)
    %dma_start3A_49 = arith.constant 2 : i32
    %dma_start3A_50 = arith.constant 0 : i32
    %dma_start3A_51 = arith.constant 0 : i32
    %dma_start3A_52 = tpu.memref_slice %arg10[%dma_start3A_49, %dma_start3A_50, %dma_start3A_51] : memref<3x128x128xf32, #tpu.memory_space<vmem>> -> memref<1x128x128xf32, #tpu.memory_space<vmem>>
    %dma_start3A_53 = tpu.memref_squeeze %dma_start3A_52 : memref<1x128x128xf32, #tpu.memory_space<vmem>> -> memref<128x128xf32, #tpu.memory_space<vmem>>
    %dma_start3A_54 = arith.constant 256 : i32
    %dma_start3A_55 = tpu.memref_slice %arg8[%dma_start3A_54] : memref<512xi32, #tpu.memory_space<vmem>> -> memref<128xi32, #tpu.memory_space<vmem>>
    %dma_start3A_56 = arith.constant 0 : i32
    %dma_start3A_57 = arith.constant 0 : i32
    %dma_start3A_58 = tpu.memref_slice %arg4[%dma_start3A_56, %dma_start3A_57] : memref<100000x128xf32, #tpu.memory_space<hbm>> -> memref<100000x128xf32, #tpu.memory_space<hbm>>
    tpu.enqueue_indirect_dma source(%dma_start3A_58 : memref<100000x128xf32, #tpu.memory_space<hbm>>) target(%dma_start3A_53 : memref<128x128xf32, #tpu.memory_space<vmem>>) offsets(%dma_start3A_55 : memref<128xi32, #tpu.memory_space<vmem>>) semaphore(%arg14 : memref<!tpu.dma_semaphore, #tpu.memory_space<semaphore_mem>>)
    %dma_start3A_59 = arith.constant 2 : i32
    %dma_start3A_60 = arith.constant 0 : i32
    %dma_start3A_61 = arith.constant 0 : i32
    %dma_start3A_62 = tpu.memref_slice %arg11[%dma_start3A_59, %dma_start3A_60, %dma_start3A_61] : memref<3x128x128xf32, #tpu.memory_space<vmem>> -> memref<1x128x128xf32, #tpu.memory_space<vmem>>
    %dma_start3A_63 = tpu.memref_squeeze %dma_start3A_62 : memref<1x128x128xf32, #tpu.memory_space<vmem>> -> memref<128x128xf32, #tpu.memory_space<vmem>>
    %dma_start3A_64 = arith.constant 256 : i32
    %dma_start3A_65 = tpu.memref_slice %arg9[%dma_start3A_64] : memref<512xi32, #tpu.memory_space<vmem>> -> memref<128xi32, #tpu.memory_space<vmem>>
    %dma_start3A_66 = arith.constant 0 : i32
    %dma_start3A_67 = arith.constant 0 : i32
    %dma_start3A_68 = tpu.memref_slice %arg5[%dma_start3A_66, %dma_start3A_67] : memref<1000000x128xf32, #tpu.memory_space<hbm>> -> memref<1000000x128xf32, #tpu.memory_space<hbm>>
    tpu.enqueue_indirect_dma source(%dma_start3A_68 : memref<1000000x128xf32, #tpu.memory_space<hbm>>) target(%dma_start3A_63 : memref<128x128xf32, #tpu.memory_space<vmem>>) offsets(%dma_start3A_65 : memref<128xi32, #tpu.memory_space<vmem>>) semaphore(%arg17 : memref<!tpu.dma_semaphore, #tpu.memory_space<semaphore_mem>>)
    %dma_wait3A_69 = arith.constant 0 : i32
    %dma_wait3A_70 = arith.constant 0 : i32
    %dma_wait3A_71 = arith.constant 0 : i32
    %dma_wait3A_72 = tpu.memref_slice %arg10[%dma_wait3A_69, %dma_wait3A_70, %dma_wait3A_71] : memref<3x128x128xf32, #tpu.memory_space<vmem>> -> memref<1x128x128xf32, #tpu.memory_space<vmem>>
    %dma_wait3A_73 = tpu.memref_squeeze %dma_wait3A_72 : memref<1x128x128xf32, #tpu.memory_space<vmem>> -> memref<128x128xf32, #tpu.memory_space<vmem>>
    %dma_wait3A_74 = arith.constant 0 : i32
    %dma_wait3A_75 = tpu.memref_slice %arg8[%dma_wait3A_74] : memref<512xi32, #tpu.memory_space<vmem>> -> memref<128xi32, #tpu.memory_space<vmem>>
    %dma_wait3A_76 = arith.constant 0 : i32
    %dma_wait3A_77 = arith.constant 0 : i32
    %dma_wait3A_78 = tpu.memref_slice %arg4[%dma_wait3A_76, %dma_wait3A_77] : memref<100000x128xf32, #tpu.memory_space<hbm>> -> memref<100000x128xf32, #tpu.memory_space<hbm>>
    tpu.wait_indirect_dma semaphore(%arg12 : memref<!tpu.dma_semaphore, #tpu.memory_space<semaphore_mem>>) src(%dma_wait3A_78 : memref<100000x128xf32, #tpu.memory_space<hbm>>) dst(%dma_wait3A_73 : memref<128x128xf32, #tpu.memory_space<vmem>>)
    %dma_wait3A_79 = arith.constant 0 : i32
    %dma_wait3A_80 = arith.constant 0 : i32
    %dma_wait3A_81 = arith.constant 0 : i32
    %dma_wait3A_82 = tpu.memref_slice %arg11[%dma_wait3A_79, %dma_wait3A_80, %dma_wait3A_81] : memref<3x128x128xf32, #tpu.memory_space<vmem>> -> memref<1x128x128xf32, #tpu.memory_space<vmem>>
    %dma_wait3A_83 = tpu.memref_squeeze %dma_wait3A_82 : memref<1x128x128xf32, #tpu.memory_space<vmem>> -> memref<128x128xf32, #tpu.memory_space<vmem>>
    %dma_wait3A_84 = arith.constant 0 : i32
    %dma_wait3A_85 = tpu.memref_slice %arg9[%dma_wait3A_84] : memref<512xi32, #tpu.memory_space<vmem>> -> memref<128xi32, #tpu.memory_space<vmem>>
    %dma_wait3A_86 = arith.constant 0 : i32
    %dma_wait3A_87 = arith.constant 0 : i32
    %dma_wait3A_88 = tpu.memref_slice %arg5[%dma_wait3A_86, %dma_wait3A_87] : memref<1000000x128xf32, #tpu.memory_space<hbm>> -> memref<1000000x128xf32, #tpu.memory_space<hbm>>
    tpu.wait_indirect_dma semaphore(%arg15 : memref<!tpu.dma_semaphore, #tpu.memory_space<semaphore_mem>>) src(%dma_wait3A_88 : memref<1000000x128xf32, #tpu.memory_space<hbm>>) dst(%dma_wait3A_83 : memref<128x128xf32, #tpu.memory_space<vmem>>)
    %add3A_89 = arith.constant 0 : i32
    %add3A_90 = arith.addi %mul3A_2, %add3A_89 : i32
    %dma_start3A_91 = arith.constant 0 : i32
    %dma_start3A_92 = arith.constant 0 : i32
    %dma_start3A_93 = arith.constant 0 : i32
    %dma_start3A_94 = tpu.memref_slice %arg10[%dma_start3A_91, %dma_start3A_92, %dma_start3A_93] : memref<3x128x128xf32, #tpu.memory_space<vmem>> -> memref<1x128x128xf32, #tpu.memory_space<vmem>>
    %dma_start3A_95 = tpu.memref_squeeze %dma_start3A_94 : memref<1x128x128xf32, #tpu.memory_space<vmem>> -> memref<128x128xf32, #tpu.memory_space<vmem>>
    %dma_start3A_96 = arith.constant 0 : i32
    %dma_start3A_97 = tpu.memref_slice %arg6[%add3A_90, %dma_start3A_96] : memref<16384x128xf32, #tpu.memory_space<hbm>> -> memref<128x128xf32, #tpu.memory_space<hbm>>
    %dma_start3A_98 = arith.constant 0 : i32
    %dma_start3A_99 = tpu.memref_slice %arg6[%add3A_90, %dma_start3A_98] : memref<16384x128xf32, #tpu.memory_space<hbm>> -> memref<128x128xf32, #tpu.memory_space<hbm>>
    %dma_start3A_100 = arith.constant 0 : i32
    %dma_start3A_101 = arith.constant 0 : i32
    %dma_start3A_102 = tpu.memref_slice %arg10[%dma_start3A_91, %dma_start3A_100, %dma_start3A_101] : memref<3x128x128xf32, #tpu.memory_space<vmem>> -> memref<1x128x128xf32, #tpu.memory_space<vmem>>
    %dma_start3A_103 = tpu.memref_squeeze %dma_start3A_102 : memref<1x128x128xf32, #tpu.memory_space<vmem>> -> memref<128x128xf32, #tpu.memory_space<vmem>>
    tpu.enqueue_dma source(%dma_start3A_103 : memref<128x128xf32, #tpu.memory_space<vmem>>) target(%dma_start3A_99 : memref<128x128xf32, #tpu.memory_space<hbm>>) target_semaphore(%arg18 : memref<!tpu.dma_semaphore, #tpu.memory_space<semaphore_mem>>)
    %add3A_104 = arith.constant 0 : i32
    %add3A_105 = arith.addi %mul3A_2, %add3A_104 : i32
    %dma_start3A_106 = arith.constant 0 : i32
    %dma_start3A_107 = arith.constant 0 : i32
    %dma_start3A_108 = arith.constant 0 : i32
    %dma_start3A_109 = tpu.memref_slice %arg11[%dma_start3A_106, %dma_start3A_107, %dma_start3A_108] : memref<3x128x128xf32, #tpu.memory_space<vmem>> -> memref<1x128x128xf32, #tpu.memory_space<vmem>>
    %dma_start3A_110 = tpu.memref_squeeze %dma_start3A_109 : memref<1x128x128xf32, #tpu.memory_space<vmem>> -> memref<128x128xf32, #tpu.memory_space<vmem>>
    %dma_start3A_111 = arith.constant 0 : i32
    %dma_start3A_112 = tpu.memref_slice %arg7[%add3A_105, %dma_start3A_111] : memref<16384x128xf32, #tpu.memory_space<hbm>> -> memref<128x128xf32, #tpu.memory_space<hbm>>
    %dma_start3A_113 = arith.constant 0 : i32
    %dma_start3A_114 = tpu.memref_slice %arg7[%add3A_105, %dma_start3A_113] : memref<16384x128xf32, #tpu.memory_space<hbm>> -> memref<128x128xf32, #tpu.memory_space<hbm>>
    %dma_start3A_115 = arith.constant 0 : i32
    %dma_start3A_116 = arith.constant 0 : i32
    %dma_start3A_117 = tpu.memref_slice %arg11[%dma_start3A_106, %dma_start3A_115, %dma_start3A_116] : memref<3x128x128xf32, #tpu.memory_space<vmem>> -> memref<1x128x128xf32, #tpu.memory_space<vmem>>
    %dma_start3A_118 = tpu.memref_squeeze %dma_start3A_117 : memref<1x128x128xf32, #tpu.memory_space<vmem>> -> memref<128x128xf32, #tpu.memory_space<vmem>>
    tpu.enqueue_dma source(%dma_start3A_118 : memref<128x128xf32, #tpu.memory_space<vmem>>) target(%dma_start3A_114 : memref<128x128xf32, #tpu.memory_space<hbm>>) target_semaphore(%arg21 : memref<!tpu.dma_semaphore, #tpu.memory_space<semaphore_mem>>)
    %dma_wait3A_119 = arith.constant 0 : i32
    %dma_wait3A_120 = arith.constant 0 : i32
    %dma_wait3A_121 = arith.constant 0 : i32
    %dma_wait3A_122 = tpu.memref_slice %arg10[%dma_wait3A_119, %dma_wait3A_120, %dma_wait3A_121] : memref<3x128x128xf32, #tpu.memory_space<vmem>> -> memref<1x128x128xf32, #tpu.memory_space<vmem>>
    %dma_wait3A_123 = tpu.memref_squeeze %dma_wait3A_122 : memref<1x128x128xf32, #tpu.memory_space<vmem>> -> memref<128x128xf32, #tpu.memory_space<vmem>>
    %dma_wait3A_124 = arith.constant 0 : i32
    %dma_wait3A_125 = tpu.memref_slice %arg6[%add3A_90, %dma_wait3A_124] : memref<16384x128xf32, #tpu.memory_space<hbm>> -> memref<128x128xf32, #tpu.memory_space<hbm>>
    %dma_wait3A_126 = arith.constant 0 : i32
    %dma_wait3A_127 = tpu.memref_slice %arg6[%add3A_90, %dma_wait3A_126] : memref<16384x128xf32, #tpu.memory_space<hbm>> -> memref<128x128xf32, #tpu.memory_space<hbm>>
    %dma_wait3A_128 = arith.constant 0 : i32
    %dma_wait3A_129 = arith.constant 0 : i32
    %dma_wait3A_130 = tpu.memref_slice %arg10[%dma_wait3A_119, %dma_wait3A_128, %dma_wait3A_129] : memref<3x128x128xf32, #tpu.memory_space<vmem>> -> memref<1x128x128xf32, #tpu.memory_space<vmem>>
    %dma_wait3A_131 = tpu.memref_squeeze %dma_wait3A_130 : memref<1x128x128xf32, #tpu.memory_space<vmem>> -> memref<128x128xf32, #tpu.memory_space<vmem>>
    tpu.wait_dma2 semaphore(%arg18 : memref<!tpu.dma_semaphore, #tpu.memory_space<semaphore_mem>>) src(%dma_wait3A_131 : memref<128x128xf32, #tpu.memory_space<vmem>>) dst(%dma_wait3A_127 : memref<128x128xf32, #tpu.memory_space<hbm>>)
    %dma_wait3A_132 = arith.constant 0 : i32
    %dma_wait3A_133 = arith.constant 0 : i32
    %dma_wait3A_134 = arith.constant 0 : i32
    %dma_wait3A_135 = tpu.memref_slice %arg11[%dma_wait3A_132, %dma_wait3A_133, %dma_wait3A_134] : memref<3x128x128xf32, #tpu.memory_space<vmem>> -> memref<1x128x128xf32, #tpu.memory_space<vmem>>
    %dma_wait3A_136 = tpu.memref_squeeze %dma_wait3A_135 : memref<1x128x128xf32, #tpu.memory_space<vmem>> -> memref<128x128xf32, #tpu.memory_space<vmem>>
    %dma_wait3A_137 = arith.constant 0 : i32
    %dma_wait3A_138 = tpu.memref_slice %arg7[%add3A_105, %dma_wait3A_137] : memref<16384x128xf32, #tpu.memory_space<hbm>> -> memref<128x128xf32, #tpu.memory_space<hbm>>
    %dma_wait3A_139 = arith.constant 0 : i32
    %dma_wait3A_140 = tpu.memref_slice %arg7[%add3A_105, %dma_wait3A_139] : memref<16384x128xf32, #tpu.memory_space<hbm>> -> memref<128x128xf32, #tpu.memory_space<hbm>>
    %dma_wait3A_141 = arith.constant 0 : i32
    %dma_wait3A_142 = arith.constant 0 : i32
    %dma_wait3A_143 = tpu.memref_slice %arg11[%dma_wait3A_132, %dma_wait3A_141, %dma_wait3A_142] : memref<3x128x128xf32, #tpu.memory_space<vmem>> -> memref<1x128x128xf32, #tpu.memory_space<vmem>>
    %dma_wait3A_144 = tpu.memref_squeeze %dma_wait3A_143 : memref<1x128x128xf32, #tpu.memory_space<vmem>> -> memref<128x128xf32, #tpu.memory_space<vmem>>
    tpu.wait_dma2 semaphore(%arg21 : memref<!tpu.dma_semaphore, #tpu.memory_space<semaphore_mem>>) src(%dma_wait3A_144 : memref<128x128xf32, #tpu.memory_space<vmem>>) dst(%dma_wait3A_140 : memref<128x128xf32, #tpu.memory_space<hbm>>)
    %dma_start3A_145 = arith.constant 0 : i32
    %dma_start3A_146 = arith.constant 0 : i32
    %dma_start3A_147 = arith.constant 0 : i32
    %dma_start3A_148 = tpu.memref_slice %arg10[%dma_start3A_145, %dma_start3A_146, %dma_start3A_147] : memref<3x128x128xf32, #tpu.memory_space<vmem>> -> memref<1x128x128xf32, #tpu.memory_space<vmem>>
    %dma_start3A_149 = tpu.memref_squeeze %dma_start3A_148 : memref<1x128x128xf32, #tpu.memory_space<vmem>> -> memref<128x128xf32, #tpu.memory_space<vmem>>
    %dma_start3A_150 = arith.constant 384 : i32
    %dma_start3A_151 = tpu.memref_slice %arg8[%dma_start3A_150] : memref<512xi32, #tpu.memory_space<vmem>> -> memref<128xi32, #tpu.memory_space<vmem>>
    %dma_start3A_152 = arith.constant 0 : i32
    %dma_start3A_153 = arith.constant 0 : i32
    %dma_start3A_154 = tpu.memref_slice %arg4[%dma_start3A_152, %dma_start3A_153] : memref<100000x128xf32, #tpu.memory_space<hbm>> -> memref<100000x128xf32, #tpu.memory_space<hbm>>
    tpu.enqueue_indirect_dma source(%dma_start3A_154 : memref<100000x128xf32, #tpu.memory_space<hbm>>) target(%dma_start3A_149 : memref<128x128xf32, #tpu.memory_space<vmem>>) offsets(%dma_start3A_151 : memref<128xi32, #tpu.memory_space<vmem>>) semaphore(%arg12 : memref<!tpu.dma_semaphore, #tpu.memory_space<semaphore_mem>>)
    %dma_start3A_155 = arith.constant 0 : i32
    %dma_start3A_156 = arith.constant 0 : i32
    %dma_start3A_157 = arith.constant 0 : i32
    %dma_start3A_158 = tpu.memref_slice %arg11[%dma_start3A_155, %dma_start3A_156, %dma_start3A_157] : memref<3x128x128xf32, #tpu.memory_space<vmem>> -> memref<1x128x128xf32, #tpu.memory_space<vmem>>
    %dma_start3A_159 = tpu.memref_squeeze %dma_start3A_158 : memref<1x128x128xf32, #tpu.memory_space<vmem>> -> memref<128x128xf32, #tpu.memory_space<vmem>>
    %dma_start3A_160 = arith.constant 384 : i32
    %dma_start3A_161 = tpu.memref_slice %arg9[%dma_start3A_160] : memref<512xi32, #tpu.memory_space<vmem>> -> memref<128xi32, #tpu.memory_space<vmem>>
    %dma_start3A_162 = arith.constant 0 : i32
    %dma_start3A_163 = arith.constant 0 : i32
    %dma_start3A_164 = tpu.memref_slice %arg5[%dma_start3A_162, %dma_start3A_163] : memref<1000000x128xf32, #tpu.memory_space<hbm>> -> memref<1000000x128xf32, #tpu.memory_space<hbm>>
    tpu.enqueue_indirect_dma source(%dma_start3A_164 : memref<1000000x128xf32, #tpu.memory_space<hbm>>) target(%dma_start3A_159 : memref<128x128xf32, #tpu.memory_space<vmem>>) offsets(%dma_start3A_161 : memref<128xi32, #tpu.memory_space<vmem>>) semaphore(%arg15 : memref<!tpu.dma_semaphore, #tpu.memory_space<semaphore_mem>>)
    %dma_wait3A_165 = arith.constant 1 : i32
    %dma_wait3A_166 = arith.constant 0 : i32
    %dma_wait3A_167 = arith.constant 0 : i32
    %dma_wait3A_168 = tpu.memref_slice %arg10[%dma_wait3A_165, %dma_wait3A_166, %dma_wait3A_167] : memref<3x128x128xf32, #tpu.memory_space<vmem>> -> memref<1x128x128xf32, #tpu.memory_space<vmem>>
    %dma_wait3A_169 = tpu.memref_squeeze %dma_wait3A_168 : memref<1x128x128xf32, #tpu.memory_space<vmem>> -> memref<128x128xf32, #tpu.memory_space<vmem>>
    %dma_wait3A_170 = arith.constant 128 : i32
    %dma_wait3A_171 = tpu.memref_slice %arg8[%dma_wait3A_170] : memref<512xi32, #tpu.memory_space<vmem>> -> memref<128xi32, #tpu.memory_space<vmem>>
    %dma_wait3A_172 = arith.constant 0 : i32
    %dma_wait3A_173 = arith.constant 0 : i32
    %dma_wait3A_174 = tpu.memref_slice %arg4[%dma_wait3A_172, %dma_wait3A_173] : memref<100000x128xf32, #tpu.memory_space<hbm>> -> memref<100000x128xf32, #tpu.memory_space<hbm>>
    tpu.wait_indirect_dma semaphore(%arg13 : memref<!tpu.dma_semaphore, #tpu.memory_space<semaphore_mem>>) src(%dma_wait3A_174 : memref<100000x128xf32, #tpu.memory_space<hbm>>) dst(%dma_wait3A_169 : memref<128x128xf32, #tpu.memory_space<vmem>>)
    %dma_wait3A_175 = arith.constant 1 : i32
    %dma_wait3A_176 = arith.constant 0 : i32
    %dma_wait3A_177 = arith.constant 0 : i32
    %dma_wait3A_178 = tpu.memref_slice %arg11[%dma_wait3A_175, %dma_wait3A_176, %dma_wait3A_177] : memref<3x128x128xf32, #tpu.memory_space<vmem>> -> memref<1x128x128xf32, #tpu.memory_space<vmem>>
    %dma_wait3A_179 = tpu.memref_squeeze %dma_wait3A_178 : memref<1x128x128xf32, #tpu.memory_space<vmem>> -> memref<128x128xf32, #tpu.memory_space<vmem>>
    %dma_wait3A_180 = arith.constant 128 : i32
    %dma_wait3A_181 = tpu.memref_slice %arg9[%dma_wait3A_180] : memref<512xi32, #tpu.memory_space<vmem>> -> memref<128xi32, #tpu.memory_space<vmem>>
    %dma_wait3A_182 = arith.constant 0 : i32
    %dma_wait3A_183 = arith.constant 0 : i32
    %dma_wait3A_184 = tpu.memref_slice %arg5[%dma_wait3A_182, %dma_wait3A_183] : memref<1000000x128xf32, #tpu.memory_space<hbm>> -> memref<1000000x128xf32, #tpu.memory_space<hbm>>
    tpu.wait_indirect_dma semaphore(%arg16 : memref<!tpu.dma_semaphore, #tpu.memory_space<semaphore_mem>>) src(%dma_wait3A_184 : memref<1000000x128xf32, #tpu.memory_space<hbm>>) dst(%dma_wait3A_179 : memref<128x128xf32, #tpu.memory_space<vmem>>)
    %add3A_185 = arith.constant 128 : i32
    %add3A_186 = arith.addi %mul3A_2, %add3A_185 : i32
    %dma_start3A_187 = arith.constant 1 : i32
    %dma_start3A_188 = arith.constant 0 : i32
    %dma_start3A_189 = arith.constant 0 : i32
    %dma_start3A_190 = tpu.memref_slice %arg10[%dma_start3A_187, %dma_start3A_188, %dma_start3A_189] : memref<3x128x128xf32, #tpu.memory_space<vmem>> -> memref<1x128x128xf32, #tpu.memory_space<vmem>>
    %dma_start3A_191 = tpu.memref_squeeze %dma_start3A_190 : memref<1x128x128xf32, #tpu.memory_space<vmem>> -> memref<128x128xf32, #tpu.memory_space<vmem>>
    %dma_start3A_192 = arith.constant 0 : i32
    %dma_start3A_193 = tpu.memref_slice %arg6[%add3A_186, %dma_start3A_192] : memref<16384x128xf32, #tpu.memory_space<hbm>> -> memref<128x128xf32, #tpu.memory_space<hbm>>
    %dma_start3A_194 = arith.constant 0 : i32
    %dma_start3A_195 = tpu.memref_slice %arg6[%add3A_186, %dma_start3A_194] : memref<16384x128xf32, #tpu.memory_space<hbm>> -> memref<128x128xf32, #tpu.memory_space<hbm>>
    %dma_start3A_196 = arith.constant 0 : i32
    %dma_start3A_197 = arith.constant 0 : i32
    %dma_start3A_198 = tpu.memref_slice %arg10[%dma_start3A_187, %dma_start3A_196, %dma_start3A_197] : memref<3x128x128xf32, #tpu.memory_space<vmem>> -> memref<1x128x128xf32, #tpu.memory_space<vmem>>
    %dma_start3A_199 = tpu.memref_squeeze %dma_start3A_198 : memref<1x128x128xf32, #tpu.memory_space<vmem>> -> memref<128x128xf32, #tpu.memory_space<vmem>>
    tpu.enqueue_dma source(%dma_start3A_199 : memref<128x128xf32, #tpu.memory_space<vmem>>) target(%dma_start3A_195 : memref<128x128xf32, #tpu.memory_space<hbm>>) target_semaphore(%arg19 : memref<!tpu.dma_semaphore, #tpu.memory_space<semaphore_mem>>)
    %add3A_200 = arith.constant 128 : i32
    %add3A_201 = arith.addi %mul3A_2, %add3A_200 : i32
    %dma_start3A_202 = arith.constant 1 : i32
    %dma_start3A_203 = arith.constant 0 : i32
    %dma_start3A_204 = arith.constant 0 : i32
    %dma_start3A_205 = tpu.memref_slice %arg11[%dma_start3A_202, %dma_start3A_203, %dma_start3A_204] : memref<3x128x128xf32, #tpu.memory_space<vmem>> -> memref<1x128x128xf32, #tpu.memory_space<vmem>>
    %dma_start3A_206 = tpu.memref_squeeze %dma_start3A_205 : memref<1x128x128xf32, #tpu.memory_space<vmem>> -> memref<128x128xf32, #tpu.memory_space<vmem>>
    %dma_start3A_207 = arith.constant 0 : i32
    %dma_start3A_208 = tpu.memref_slice %arg7[%add3A_201, %dma_start3A_207] : memref<16384x128xf32, #tpu.memory_space<hbm>> -> memref<128x128xf32, #tpu.memory_space<hbm>>
    %dma_start3A_209 = arith.constant 0 : i32
    %dma_start3A_210 = tpu.memref_slice %arg7[%add3A_201, %dma_start3A_209] : memref<16384x128xf32, #tpu.memory_space<hbm>> -> memref<128x128xf32, #tpu.memory_space<hbm>>
    %dma_start3A_211 = arith.constant 0 : i32
    %dma_start3A_212 = arith.constant 0 : i32
    %dma_start3A_213 = tpu.memref_slice %arg11[%dma_start3A_202, %dma_start3A_211, %dma_start3A_212] : memref<3x128x128xf32, #tpu.memory_space<vmem>> -> memref<1x128x128xf32, #tpu.memory_space<vmem>>
    %dma_start3A_214 = tpu.memref_squeeze %dma_start3A_213 : memref<1x128x128xf32, #tpu.memory_space<vmem>> -> memref<128x128xf32, #tpu.memory_space<vmem>>
    tpu.enqueue_dma source(%dma_start3A_214 : memref<128x128xf32, #tpu.memory_space<vmem>>) target(%dma_start3A_210 : memref<128x128xf32, #tpu.memory_space<hbm>>) target_semaphore(%arg22 : memref<!tpu.dma_semaphore, #tpu.memory_space<semaphore_mem>>)
    %dma_wait3A_215 = arith.constant 2 : i32
    %dma_wait3A_216 = arith.constant 0 : i32
    %dma_wait3A_217 = arith.constant 0 : i32
    %dma_wait3A_218 = tpu.memref_slice %arg10[%dma_wait3A_215, %dma_wait3A_216, %dma_wait3A_217] : memref<3x128x128xf32, #tpu.memory_space<vmem>> -> memref<1x128x128xf32, #tpu.memory_space<vmem>>
    %dma_wait3A_219 = tpu.memref_squeeze %dma_wait3A_218 : memref<1x128x128xf32, #tpu.memory_space<vmem>> -> memref<128x128xf32, #tpu.memory_space<vmem>>
    %dma_wait3A_220 = arith.constant 256 : i32
    %dma_wait3A_221 = tpu.memref_slice %arg8[%dma_wait3A_220] : memref<512xi32, #tpu.memory_space<vmem>> -> memref<128xi32, #tpu.memory_space<vmem>>
    %dma_wait3A_222 = arith.constant 0 : i32
    %dma_wait3A_223 = arith.constant 0 : i32
    %dma_wait3A_224 = tpu.memref_slice %arg4[%dma_wait3A_222, %dma_wait3A_223] : memref<100000x128xf32, #tpu.memory_space<hbm>> -> memref<100000x128xf32, #tpu.memory_space<hbm>>
    tpu.wait_indirect_dma semaphore(%arg14 : memref<!tpu.dma_semaphore, #tpu.memory_space<semaphore_mem>>) src(%dma_wait3A_224 : memref<100000x128xf32, #tpu.memory_space<hbm>>) dst(%dma_wait3A_219 : memref<128x128xf32, #tpu.memory_space<vmem>>)
    %dma_wait3A_225 = arith.constant 2 : i32
    %dma_wait3A_226 = arith.constant 0 : i32
    %dma_wait3A_227 = arith.constant 0 : i32
    %dma_wait3A_228 = tpu.memref_slice %arg11[%dma_wait3A_225, %dma_wait3A_226, %dma_wait3A_227] : memref<3x128x128xf32, #tpu.memory_space<vmem>> -> memref<1x128x128xf32, #tpu.memory_space<vmem>>
    %dma_wait3A_229 = tpu.memref_squeeze %dma_wait3A_228 : memref<1x128x128xf32, #tpu.memory_space<vmem>> -> memref<128x128xf32, #tpu.memory_space<vmem>>
    %dma_wait3A_230 = arith.constant 256 : i32
    %dma_wait3A_231 = tpu.memref_slice %arg9[%dma_wait3A_230] : memref<512xi32, #tpu.memory_space<vmem>> -> memref<128xi32, #tpu.memory_space<vmem>>
    %dma_wait3A_232 = arith.constant 0 : i32
    %dma_wait3A_233 = arith.constant 0 : i32
    %dma_wait3A_234 = tpu.memref_slice %arg5[%dma_wait3A_232, %dma_wait3A_233] : memref<1000000x128xf32, #tpu.memory_space<hbm>> -> memref<1000000x128xf32, #tpu.memory_space<hbm>>
    tpu.wait_indirect_dma semaphore(%arg17 : memref<!tpu.dma_semaphore, #tpu.memory_space<semaphore_mem>>) src(%dma_wait3A_234 : memref<1000000x128xf32, #tpu.memory_space<hbm>>) dst(%dma_wait3A_229 : memref<128x128xf32, #tpu.memory_space<vmem>>)
    %add3A_235 = arith.constant 256 : i32
    %add3A_236 = arith.addi %mul3A_2, %add3A_235 : i32
    %dma_start3A_237 = arith.constant 2 : i32
    %dma_start3A_238 = arith.constant 0 : i32
    %dma_start3A_239 = arith.constant 0 : i32
    %dma_start3A_240 = tpu.memref_slice %arg10[%dma_start3A_237, %dma_start3A_238, %dma_start3A_239] : memref<3x128x128xf32, #tpu.memory_space<vmem>> -> memref<1x128x128xf32, #tpu.memory_space<vmem>>
    %dma_start3A_241 = tpu.memref_squeeze %dma_start3A_240 : memref<1x128x128xf32, #tpu.memory_space<vmem>> -> memref<128x128xf32, #tpu.memory_space<vmem>>
    %dma_start3A_242 = arith.constant 0 : i32
    %dma_start3A_243 = tpu.memref_slice %arg6[%add3A_236, %dma_start3A_242] : memref<16384x128xf32, #tpu.memory_space<hbm>> -> memref<128x128xf32, #tpu.memory_space<hbm>>
    %dma_start3A_244 = arith.constant 0 : i32
    %dma_start3A_245 = tpu.memref_slice %arg6[%add3A_236, %dma_start3A_244] : memref<16384x128xf32, #tpu.memory_space<hbm>> -> memref<128x128xf32, #tpu.memory_space<hbm>>
    %dma_start3A_246 = arith.constant 0 : i32
    %dma_start3A_247 = arith.constant 0 : i32
    %dma_start3A_248 = tpu.memref_slice %arg10[%dma_start3A_237, %dma_start3A_246, %dma_start3A_247] : memref<3x128x128xf32, #tpu.memory_space<vmem>> -> memref<1x128x128xf32, #tpu.memory_space<vmem>>
    %dma_start3A_249 = tpu.memref_squeeze %dma_start3A_248 : memref<1x128x128xf32, #tpu.memory_space<vmem>> -> memref<128x128xf32, #tpu.memory_space<vmem>>
    tpu.enqueue_dma source(%dma_start3A_249 : memref<128x128xf32, #tpu.memory_space<vmem>>) target(%dma_start3A_245 : memref<128x128xf32, #tpu.memory_space<hbm>>) target_semaphore(%arg20 : memref<!tpu.dma_semaphore, #tpu.memory_space<semaphore_mem>>)
    %add3A_250 = arith.constant 256 : i32
    %add3A_251 = arith.addi %mul3A_2, %add3A_250 : i32
    %dma_start3A_252 = arith.constant 2 : i32
    %dma_start3A_253 = arith.constant 0 : i32
    %dma_start3A_254 = arith.constant 0 : i32
    %dma_start3A_255 = tpu.memref_slice %arg11[%dma_start3A_252, %dma_start3A_253, %dma_start3A_254] : memref<3x128x128xf32, #tpu.memory_space<vmem>> -> memref<1x128x128xf32, #tpu.memory_space<vmem>>
    %dma_start3A_256 = tpu.memref_squeeze %dma_start3A_255 : memref<1x128x128xf32, #tpu.memory_space<vmem>> -> memref<128x128xf32, #tpu.memory_space<vmem>>
    %dma_start3A_257 = arith.constant 0 : i32
    %dma_start3A_258 = tpu.memref_slice %arg7[%add3A_251, %dma_start3A_257] : memref<16384x128xf32, #tpu.memory_space<hbm>> -> memref<128x128xf32, #tpu.memory_space<hbm>>
    %dma_start3A_259 = arith.constant 0 : i32
    %dma_start3A_260 = tpu.memref_slice %arg7[%add3A_251, %dma_start3A_259] : memref<16384x128xf32, #tpu.memory_space<hbm>> -> memref<128x128xf32, #tpu.memory_space<hbm>>
    %dma_start3A_261 = arith.constant 0 : i32
    %dma_start3A_262 = arith.constant 0 : i32
    %dma_start3A_263 = tpu.memref_slice %arg11[%dma_start3A_252, %dma_start3A_261, %dma_start3A_262] : memref<3x128x128xf32, #tpu.memory_space<vmem>> -> memref<1x128x128xf32, #tpu.memory_space<vmem>>
    %dma_start3A_264 = tpu.memref_squeeze %dma_start3A_263 : memref<1x128x128xf32, #tpu.memory_space<vmem>> -> memref<128x128xf32, #tpu.memory_space<vmem>>
    tpu.enqueue_dma source(%dma_start3A_264 : memref<128x128xf32, #tpu.memory_space<vmem>>) target(%dma_start3A_260 : memref<128x128xf32, #tpu.memory_space<hbm>>) target_semaphore(%arg23 : memref<!tpu.dma_semaphore, #tpu.memory_space<semaphore_mem>>)
    %dma_wait3A_265 = arith.constant 0 : i32
    %dma_wait3A_266 = arith.constant 0 : i32
    %dma_wait3A_267 = arith.constant 0 : i32
    %dma_wait3A_268 = tpu.memref_slice %arg10[%dma_wait3A_265, %dma_wait3A_266, %dma_wait3A_267] : memref<3x128x128xf32, #tpu.memory_space<vmem>> -> memref<1x128x128xf32, #tpu.memory_space<vmem>>
    %dma_wait3A_269 = tpu.memref_squeeze %dma_wait3A_268 : memref<1x128x128xf32, #tpu.memory_space<vmem>> -> memref<128x128xf32, #tpu.memory_space<vmem>>
    %dma_wait3A_270 = arith.constant 384 : i32
    %dma_wait3A_271 = tpu.memref_slice %arg8[%dma_wait3A_270] : memref<512xi32, #tpu.memory_space<vmem>> -> memref<128xi32, #tpu.memory_space<vmem>>
    %dma_wait3A_272 = arith.constant 0 : i32
    %dma_wait3A_273 = arith.constant 0 : i32
    %dma_wait3A_274 = tpu.memref_slice %arg4[%dma_wait3A_272, %dma_wait3A_273] : memref<100000x128xf32, #tpu.memory_space<hbm>> -> memref<100000x128xf32, #tpu.memory_space<hbm>>
    tpu.wait_indirect_dma semaphore(%arg12 : memref<!tpu.dma_semaphore, #tpu.memory_space<semaphore_mem>>) src(%dma_wait3A_274 : memref<100000x128xf32, #tpu.memory_space<hbm>>) dst(%dma_wait3A_269 : memref<128x128xf32, #tpu.memory_space<vmem>>)
    %dma_wait3A_275 = arith.constant 0 : i32
    %dma_wait3A_276 = arith.constant 0 : i32
    %dma_wait3A_277 = arith.constant 0 : i32
    %dma_wait3A_278 = tpu.memref_slice %arg11[%dma_wait3A_275, %dma_wait3A_276, %dma_wait3A_277] : memref<3x128x128xf32, #tpu.memory_space<vmem>> -> memref<1x128x128xf32, #tpu.memory_space<vmem>>
    %dma_wait3A_279 = tpu.memref_squeeze %dma_wait3A_278 : memref<1x128x128xf32, #tpu.memory_space<vmem>> -> memref<128x128xf32, #tpu.memory_space<vmem>>
    %dma_wait3A_280 = arith.constant 384 : i32
    %dma_wait3A_281 = tpu.memref_slice %arg9[%dma_wait3A_280] : memref<512xi32, #tpu.memory_space<vmem>> -> memref<128xi32, #tpu.memory_space<vmem>>
    %dma_wait3A_282 = arith.constant 0 : i32
    %dma_wait3A_283 = arith.constant 0 : i32
    %dma_wait3A_284 = tpu.memref_slice %arg5[%dma_wait3A_282, %dma_wait3A_283] : memref<1000000x128xf32, #tpu.memory_space<hbm>> -> memref<1000000x128xf32, #tpu.memory_space<hbm>>
    tpu.wait_indirect_dma semaphore(%arg15 : memref<!tpu.dma_semaphore, #tpu.memory_space<semaphore_mem>>) src(%dma_wait3A_284 : memref<1000000x128xf32, #tpu.memory_space<hbm>>) dst(%dma_wait3A_279 : memref<128x128xf32, #tpu.memory_space<vmem>>)
    %add3A_285 = arith.constant 384 : i32
    %add3A_286 = arith.addi %mul3A_2, %add3A_285 : i32
    %dma_start3A_287 = arith.constant 0 : i32
    %dma_start3A_288 = arith.constant 0 : i32
    %dma_start3A_289 = arith.constant 0 : i32
    %dma_start3A_290 = tpu.memref_slice %arg10[%dma_start3A_287, %dma_start3A_288, %dma_start3A_289] : memref<3x128x128xf32, #tpu.memory_space<vmem>> -> memref<1x128x128xf32, #tpu.memory_space<vmem>>
    %dma_start3A_291 = tpu.memref_squeeze %dma_start3A_290 : memref<1x128x128xf32, #tpu.memory_space<vmem>> -> memref<128x128xf32, #tpu.memory_space<vmem>>
    %dma_start3A_292 = arith.constant 0 : i32
    %dma_start3A_293 = tpu.memref_slice %arg6[%add3A_286, %dma_start3A_292] : memref<16384x128xf32, #tpu.memory_space<hbm>> -> memref<128x128xf32, #tpu.memory_space<hbm>>
    %dma_start3A_294 = arith.constant 0 : i32
    %dma_start3A_295 = tpu.memref_slice %arg6[%add3A_286, %dma_start3A_294] : memref<16384x128xf32, #tpu.memory_space<hbm>> -> memref<128x128xf32, #tpu.memory_space<hbm>>
    %dma_start3A_296 = arith.constant 0 : i32
    %dma_start3A_297 = arith.constant 0 : i32
    %dma_start3A_298 = tpu.memref_slice %arg10[%dma_start3A_287, %dma_start3A_296, %dma_start3A_297] : memref<3x128x128xf32, #tpu.memory_space<vmem>> -> memref<1x128x128xf32, #tpu.memory_space<vmem>>
    %dma_start3A_299 = tpu.memref_squeeze %dma_start3A_298 : memref<1x128x128xf32, #tpu.memory_space<vmem>> -> memref<128x128xf32, #tpu.memory_space<vmem>>
    tpu.enqueue_dma source(%dma_start3A_299 : memref<128x128xf32, #tpu.memory_space<vmem>>) target(%dma_start3A_295 : memref<128x128xf32, #tpu.memory_space<hbm>>) target_semaphore(%arg18 : memref<!tpu.dma_semaphore, #tpu.memory_space<semaphore_mem>>)
    %add3A_300 = arith.constant 384 : i32
    %add3A_301 = arith.addi %mul3A_2, %add3A_300 : i32
    %dma_start3A_302 = arith.constant 0 : i32
    %dma_start3A_303 = arith.constant 0 : i32
    %dma_start3A_304 = arith.constant 0 : i32
    %dma_start3A_305 = tpu.memref_slice %arg11[%dma_start3A_302, %dma_start3A_303, %dma_start3A_304] : memref<3x128x128xf32, #tpu.memory_space<vmem>> -> memref<1x128x128xf32, #tpu.memory_space<vmem>>
    %dma_start3A_306 = tpu.memref_squeeze %dma_start3A_305 : memref<1x128x128xf32, #tpu.memory_space<vmem>> -> memref<128x128xf32, #tpu.memory_space<vmem>>
    %dma_start3A_307 = arith.constant 0 : i32
    %dma_start3A_308 = tpu.memref_slice %arg7[%add3A_301, %dma_start3A_307] : memref<16384x128xf32, #tpu.memory_space<hbm>> -> memref<128x128xf32, #tpu.memory_space<hbm>>
    %dma_start3A_309 = arith.constant 0 : i32
    %dma_start3A_310 = tpu.memref_slice %arg7[%add3A_301, %dma_start3A_309] : memref<16384x128xf32, #tpu.memory_space<hbm>> -> memref<128x128xf32, #tpu.memory_space<hbm>>
    %dma_start3A_311 = arith.constant 0 : i32
    %dma_start3A_312 = arith.constant 0 : i32
    %dma_start3A_313 = tpu.memref_slice %arg11[%dma_start3A_302, %dma_start3A_311, %dma_start3A_312] : memref<3x128x128xf32, #tpu.memory_space<vmem>> -> memref<1x128x128xf32, #tpu.memory_space<vmem>>
    %dma_start3A_314 = tpu.memref_squeeze %dma_start3A_313 : memref<1x128x128xf32, #tpu.memory_space<vmem>> -> memref<128x128xf32, #tpu.memory_space<vmem>>
    tpu.enqueue_dma source(%dma_start3A_314 : memref<128x128xf32, #tpu.memory_space<vmem>>) target(%dma_start3A_310 : memref<128x128xf32, #tpu.memory_space<hbm>>) target_semaphore(%arg21 : memref<!tpu.dma_semaphore, #tpu.memory_space<semaphore_mem>>)
    %dma_wait3A_315 = arith.constant 1 : i32
    %dma_wait3A_316 = arith.constant 0 : i32
    %dma_wait3A_317 = arith.constant 0 : i32
    %dma_wait3A_318 = tpu.memref_slice %arg10[%dma_wait3A_315, %dma_wait3A_316, %dma_wait3A_317] : memref<3x128x128xf32, #tpu.memory_space<vmem>> -> memref<1x128x128xf32, #tpu.memory_space<vmem>>
    %dma_wait3A_319 = tpu.memref_squeeze %dma_wait3A_318 : memref<1x128x128xf32, #tpu.memory_space<vmem>> -> memref<128x128xf32, #tpu.memory_space<vmem>>
    %dma_wait3A_320 = arith.constant 0 : i32
    %dma_wait3A_321 = tpu.memref_slice %arg6[%add3A_186, %dma_wait3A_320] : memref<16384x128xf32, #tpu.memory_space<hbm>> -> memref<128x128xf32, #tpu.memory_space<hbm>>
    %dma_wait3A_322 = arith.constant 0 : i32
    %dma_wait3A_323 = tpu.memref_slice %arg6[%add3A_186, %dma_wait3A_322] : memref<16384x128xf32, #tpu.memory_space<hbm>> -> memref<128x128xf32, #tpu.memory_space<hbm>>
    %dma_wait3A_324 = arith.constant 0 : i32
    %dma_wait3A_325 = arith.constant 0 : i32
    %dma_wait3A_326 = tpu.memref_slice %arg10[%dma_wait3A_315, %dma_wait3A_324, %dma_wait3A_325] : memref<3x128x128xf32, #tpu.memory_space<vmem>> -> memref<1x128x128xf32, #tpu.memory_space<vmem>>
    %dma_wait3A_327 = tpu.memref_squeeze %dma_wait3A_326 : memref<1x128x128xf32, #tpu.memory_space<vmem>> -> memref<128x128xf32, #tpu.memory_space<vmem>>
    tpu.wait_dma2 semaphore(%arg19 : memref<!tpu.dma_semaphore, #tpu.memory_space<semaphore_mem>>) src(%dma_wait3A_327 : memref<128x128xf32, #tpu.memory_space<vmem>>) dst(%dma_wait3A_323 : memref<128x128xf32, #tpu.memory_space<hbm>>)
    %dma_wait3A_328 = arith.constant 1 : i32
    %dma_wait3A_329 = arith.constant 0 : i32
    %dma_wait3A_330 = arith.constant 0 : i32
    %dma_wait3A_331 = tpu.memref_slice %arg11[%dma_wait3A_328, %dma_wait3A_329, %dma_wait3A_330] : memref<3x128x128xf32, #tpu.memory_space<vmem>> -> memref<1x128x128xf32, #tpu.memory_space<vmem>>
    %dma_wait3A_332 = tpu.memref_squeeze %dma_wait3A_331 : memref<1x128x128xf32, #tpu.memory_space<vmem>> -> memref<128x128xf32, #tpu.memory_space<vmem>>
    %dma_wait3A_333 = arith.constant 0 : i32
    %dma_wait3A_334 = tpu.memref_slice %arg7[%add3A_201, %dma_wait3A_333] : memref<16384x128xf32, #tpu.memory_space<hbm>> -> memref<128x128xf32, #tpu.memory_space<hbm>>
    %dma_wait3A_335 = arith.constant 0 : i32
    %dma_wait3A_336 = tpu.memref_slice %arg7[%add3A_201, %dma_wait3A_335] : memref<16384x128xf32, #tpu.memory_space<hbm>> -> memref<128x128xf32, #tpu.memory_space<hbm>>
    %dma_wait3A_337 = arith.constant 0 : i32
    %dma_wait3A_338 = arith.constant 0 : i32
    %dma_wait3A_339 = tpu.memref_slice %arg11[%dma_wait3A_328, %dma_wait3A_337, %dma_wait3A_338] : memref<3x128x128xf32, #tpu.memory_space<vmem>> -> memref<1x128x128xf32, #tpu.memory_space<vmem>>
    %dma_wait3A_340 = tpu.memref_squeeze %dma_wait3A_339 : memref<1x128x128xf32, #tpu.memory_space<vmem>> -> memref<128x128xf32, #tpu.memory_space<vmem>>
    tpu.wait_dma2 semaphore(%arg22 : memref<!tpu.dma_semaphore, #tpu.memory_space<semaphore_mem>>) src(%dma_wait3A_340 : memref<128x128xf32, #tpu.memory_space<vmem>>) dst(%dma_wait3A_336 : memref<128x128xf32, #tpu.memory_space<hbm>>)
    %dma_wait3A_341 = arith.constant 2 : i32
    %dma_wait3A_342 = arith.constant 0 : i32
    %dma_wait3A_343 = arith.constant 0 : i32
    %dma_wait3A_344 = tpu.memref_slice %arg10[%dma_wait3A_341, %dma_wait3A_342, %dma_wait3A_343] : memref<3x128x128xf32, #tpu.memory_space<vmem>> -> memref<1x128x128xf32, #tpu.memory_space<vmem>>
    %dma_wait3A_345 = tpu.memref_squeeze %dma_wait3A_344 : memref<1x128x128xf32, #tpu.memory_space<vmem>> -> memref<128x128xf32, #tpu.memory_space<vmem>>
    %dma_wait3A_346 = arith.constant 0 : i32
    %dma_wait3A_347 = tpu.memref_slice %arg6[%add3A_236, %dma_wait3A_346] : memref<16384x128xf32, #tpu.memory_space<hbm>> -> memref<128x128xf32, #tpu.memory_space<hbm>>
    %dma_wait3A_348 = arith.constant 0 : i32
    %dma_wait3A_349 = tpu.memref_slice %arg6[%add3A_236, %dma_wait3A_348] : memref<16384x128xf32, #tpu.memory_space<hbm>> -> memref<128x128xf32, #tpu.memory_space<hbm>>
    %dma_wait3A_350 = arith.constant 0 : i32
    %dma_wait3A_351 = arith.constant 0 : i32
    %dma_wait3A_352 = tpu.memref_slice %arg10[%dma_wait3A_341, %dma_wait3A_350, %dma_wait3A_351] : memref<3x128x128xf32, #tpu.memory_space<vmem>> -> memref<1x128x128xf32, #tpu.memory_space<vmem>>
    %dma_wait3A_353 = tpu.memref_squeeze %dma_wait3A_352 : memref<1x128x128xf32, #tpu.memory_space<vmem>> -> memref<128x128xf32, #tpu.memory_space<vmem>>
    tpu.wait_dma2 semaphore(%arg20 : memref<!tpu.dma_semaphore, #tpu.memory_space<semaphore_mem>>) src(%dma_wait3A_353 : memref<128x128xf32, #tpu.memory_space<vmem>>) dst(%dma_wait3A_349 : memref<128x128xf32, #tpu.memory_space<hbm>>)
    %dma_wait3A_354 = arith.constant 2 : i32
    %dma_wait3A_355 = arith.constant 0 : i32
    %dma_wait3A_356 = arith.constant 0 : i32
    %dma_wait3A_357 = tpu.memref_slice %arg11[%dma_wait3A_354, %dma_wait3A_355, %dma_wait3A_356] : memref<3x128x128xf32, #tpu.memory_space<vmem>> -> memref<1x128x128xf32, #tpu.memory_space<vmem>>
    %dma_wait3A_358 = tpu.memref_squeeze %dma_wait3A_357 : memref<1x128x128xf32, #tpu.memory_space<vmem>> -> memref<128x128xf32, #tpu.memory_space<vmem>>
    %dma_wait3A_359 = arith.constant 0 : i32
    %dma_wait3A_360 = tpu.memref_slice %arg7[%add3A_251, %dma_wait3A_359] : memref<16384x128xf32, #tpu.memory_space<hbm>> -> memref<128x128xf32, #tpu.memory_space<hbm>>
    %dma_wait3A_361 = arith.constant 0 : i32
    %dma_wait3A_362 = tpu.memref_slice %arg7[%add3A_251, %dma_wait3A_361] : memref<16384x128xf32, #tpu.memory_space<hbm>> -> memref<128x128xf32, #tpu.memory_space<hbm>>
    %dma_wait3A_363 = arith.constant 0 : i32
    %dma_wait3A_364 = arith.constant 0 : i32
    %dma_wait3A_365 = tpu.memref_slice %arg11[%dma_wait3A_354, %dma_wait3A_363, %dma_wait3A_364] : memref<3x128x128xf32, #tpu.memory_space<vmem>> -> memref<1x128x128xf32, #tpu.memory_space<vmem>>
    %dma_wait3A_366 = tpu.memref_squeeze %dma_wait3A_365 : memref<1x128x128xf32, #tpu.memory_space<vmem>> -> memref<128x128xf32, #tpu.memory_space<vmem>>
    tpu.wait_dma2 semaphore(%arg23 : memref<!tpu.dma_semaphore, #tpu.memory_space<semaphore_mem>>) src(%dma_wait3A_366 : memref<128x128xf32, #tpu.memory_space<vmem>>) dst(%dma_wait3A_362 : memref<128x128xf32, #tpu.memory_space<hbm>>)
    %dma_wait3A_367 = arith.constant 0 : i32
    %dma_wait3A_368 = arith.constant 0 : i32
    %dma_wait3A_369 = arith.constant 0 : i32
    %dma_wait3A_370 = tpu.memref_slice %arg10[%dma_wait3A_367, %dma_wait3A_368, %dma_wait3A_369] : memref<3x128x128xf32, #tpu.memory_space<vmem>> -> memref<1x128x128xf32, #tpu.memory_space<vmem>>
    %dma_wait3A_371 = tpu.memref_squeeze %dma_wait3A_370 : memref<1x128x128xf32, #tpu.memory_space<vmem>> -> memref<128x128xf32, #tpu.memory_space<vmem>>
    %dma_wait3A_372 = arith.constant 0 : i32
    %dma_wait3A_373 = tpu.memref_slice %arg6[%add3A_286, %dma_wait3A_372] : memref<16384x128xf32, #tpu.memory_space<hbm>> -> memref<128x128xf32, #tpu.memory_space<hbm>>
    %dma_wait3A_374 = arith.constant 0 : i32
    %dma_wait3A_375 = tpu.memref_slice %arg6[%add3A_286, %dma_wait3A_374] : memref<16384x128xf32, #tpu.memory_space<hbm>> -> memref<128x128xf32, #tpu.memory_space<hbm>>
    %dma_wait3A_376 = arith.constant 0 : i32
    %dma_wait3A_377 = arith.constant 0 : i32
    %dma_wait3A_378 = tpu.memref_slice %arg10[%dma_wait3A_367, %dma_wait3A_376, %dma_wait3A_377] : memref<3x128x128xf32, #tpu.memory_space<vmem>> -> memref<1x128x128xf32, #tpu.memory_space<vmem>>
    %dma_wait3A_379 = tpu.memref_squeeze %dma_wait3A_378 : memref<1x128x128xf32, #tpu.memory_space<vmem>> -> memref<128x128xf32, #tpu.memory_space<vmem>>
    tpu.wait_dma2 semaphore(%arg18 : memref<!tpu.dma_semaphore, #tpu.memory_space<semaphore_mem>>) src(%dma_wait3A_379 : memref<128x128xf32, #tpu.memory_space<vmem>>) dst(%dma_wait3A_375 : memref<128x128xf32, #tpu.memory_space<hbm>>)
    %dma_wait3A_380 = arith.constant 0 : i32
    %dma_wait3A_381 = arith.constant 0 : i32
    %dma_wait3A_382 = arith.constant 0 : i32
    %dma_wait3A_383 = tpu.memref_slice %arg11[%dma_wait3A_380, %dma_wait3A_381, %dma_wait3A_382] : memref<3x128x128xf32, #tpu.memory_space<vmem>> -> memref<1x128x128xf32, #tpu.memory_space<vmem>>
    %dma_wait3A_384 = tpu.memref_squeeze %dma_wait3A_383 : memref<1x128x128xf32, #tpu.memory_space<vmem>> -> memref<128x128xf32, #tpu.memory_space<vmem>>
    %dma_wait3A_385 = arith.constant 0 : i32
    %dma_wait3A_386 = tpu.memref_slice %arg7[%add3A_301, %dma_wait3A_385] : memref<16384x128xf32, #tpu.memory_space<hbm>> -> memref<128x128xf32, #tpu.memory_space<hbm>>
    %dma_wait3A_387 = arith.constant 0 : i32
    %dma_wait3A_388 = tpu.memref_slice %arg7[%add3A_301, %dma_wait3A_387] : memref<16384x128xf32, #tpu.memory_space<hbm>> -> memref<128x128xf32, #tpu.memory_space<hbm>>
    %dma_wait3A_389 = arith.constant 0 : i32
    %dma_wait3A_390 = arith.constant 0 : i32
    %dma_wait3A_391 = tpu.memref_slice %arg11[%dma_wait3A_380, %dma_wait3A_389, %dma_wait3A_390] : memref<3x128x128xf32, #tpu.memory_space<vmem>> -> memref<1x128x128xf32, #tpu.memory_space<vmem>>
    %dma_wait3A_392 = tpu.memref_squeeze %dma_wait3A_391 : memref<1x128x128xf32, #tpu.memory_space<vmem>> -> memref<128x128xf32, #tpu.memory_space<vmem>>
    tpu.wait_dma2 semaphore(%arg21 : memref<!tpu.dma_semaphore, #tpu.memory_space<semaphore_mem>>) src(%dma_wait3A_392 : memref<128x128xf32, #tpu.memory_space<vmem>>) dst(%dma_wait3A_388 : memref<128x128xf32, #tpu.memory_space<hbm>>)
    return
  }
}

module attributes {stable_mosaic.version = 14 : i64} {
  func.func @_mlp_body(%arg0: i32, %arg1: memref<8192x128xf32, #tpu.memory_space<vmem>>, %arg2: memref<8192x128xf32, #tpu.memory_space<vmem>>, %arg3: memref<128x256xf32, #tpu.memory_space<vmem>>, %arg4: memref<1x128xf32, #tpu.memory_space<vmem>>, %arg5: memref<64x128xf32, #tpu.memory_space<vmem>>, %arg6: memref<1x64xf32, #tpu.memory_space<vmem>>, %arg7: memref<1x64xf32, #tpu.memory_space<vmem>>, %arg8: memref<1x1xf32, #tpu.memory_space<vmem>>, %arg9: memref<64x128xf32, #tpu.memory_space<vmem>>) attributes {dimension_semantics = [#tpu.dimension_semantics<arbitrary>], iteration_bounds = array<i64: 2>, scalar_prefetch = 0 : i64, scratch_operands = 0 : i64, tpu.core_type = #tpu.core_type<tc>, window_params = [{transform_indices = @transform_0, window_bounds = array<i64: 8192, 128>}, {transform_indices = @transform_1, window_bounds = array<i64: 8192, 128>}, {pipeline_mode = #tpu.pipeline_mode<synchronous>, transform_indices = @transform_2, window_bounds = array<i64: 128, 256>}, {pipeline_mode = #tpu.pipeline_mode<synchronous>, transform_indices = @transform_3, window_bounds = array<i64: 1, 128>}, {pipeline_mode = #tpu.pipeline_mode<synchronous>, transform_indices = @transform_4, window_bounds = array<i64: 64, 128>}, {pipeline_mode = #tpu.pipeline_mode<synchronous>, transform_indices = @transform_5, window_bounds = array<i64: 1, 64>}, {pipeline_mode = #tpu.pipeline_mode<synchronous>, transform_indices = @transform_6, window_bounds = array<i64: 1, 64>}, {pipeline_mode = #tpu.pipeline_mode<synchronous>, transform_indices = @transform_7, window_bounds = array<i64: 1, 1>}, {transform_indices = @transform_8, window_bounds = array<i64: 64, 128>}]} {
    %get3A = arith.constant 0 : index
    %get3A_0 = arith.constant 0 : index
    %get3A_1 = vector.load %arg1[%get3A, %get3A_0] : memref<8192x128xf32, #tpu.memory_space<vmem>>, vector<8192x128xf32>
    %get3A_2 = arith.constant 0 : index
    %get3A_3 = arith.constant 0 : index
    %get3A_4 = vector.load %arg3[%get3A_2, %get3A_3] : memref<128x256xf32, #tpu.memory_space<vmem>>, vector<128x128xf32>
    %dot_general3A = arith.constant dense<0.000000e+00> : vector<8192x128xf32>
    %dot_general3A_5 = tpu.matmul %get3A_1, %get3A_4, %dot_general3A {dimension_numbers = #tpu.dot_dimension_numbers<[1], [1], [0], [0], [0, 0, 1, 0], [], []>, transpose_lhs_hint = false} : vector<8192x128xf32>, vector<128x128xf32>, vector<8192x128xf32> -> vector<8192x128xf32>
    %get3A_6 = arith.constant 0 : index
    %get3A_7 = arith.constant 0 : index
    %get3A_8 = vector.load %arg2[%get3A_6, %get3A_7] : memref<8192x128xf32, #tpu.memory_space<vmem>>, vector<8192x128xf32>
    %get3A_9 = arith.constant 0 : index
    %get3A_10 = arith.constant 128 : index
    %get3A_11 = vector.load %arg3[%get3A_9, %get3A_10] : memref<128x256xf32, #tpu.memory_space<vmem>>, vector<128x128xf32>
    %dot_general3A_12 = arith.constant dense<0.000000e+00> : vector<8192x128xf32>
    %dot_general3A_13 = tpu.matmul %get3A_8, %get3A_11, %dot_general3A_12 {dimension_numbers = #tpu.dot_dimension_numbers<[1], [1], [0], [0], [0, 0, 1, 0], [], []>, transpose_lhs_hint = false} : vector<8192x128xf32>, vector<128x128xf32>, vector<8192x128xf32> -> vector<8192x128xf32>
    %add3A = arith.addf %dot_general3A_5, %dot_general3A_13 : vector<8192x128xf32>
    %get3A_14 = arith.constant 0 : index
    %get3A_15 = arith.constant 0 : index
    %get3A_16 = vector.load %arg4[%get3A_14, %get3A_15] : memref<1x128xf32, #tpu.memory_space<vmem>>, vector<1x128xf32>
    %add3A_17 = vector.broadcast %get3A_16 : vector<1x128xf32> to vector<8192x128xf32>
    %add3A_18 = arith.addf %add3A, %add3A_17 : vector<8192x128xf32>
    %max3A = arith.constant 0.000000e+00 : f32
    %max3A_19 = vector.broadcast %max3A : f32 to vector<8192x128xf32>
    %max3A_20 = arith.maximumf %add3A_18, %max3A_19 : vector<8192x128xf32>
    %get3A_21 = arith.constant 0 : index
    %get3A_22 = arith.constant 0 : index
    %get3A_23 = vector.load %arg5[%get3A_21, %get3A_22] : memref<64x128xf32, #tpu.memory_space<vmem>>, vector<64x128xf32>
    %dot_general3A_24 = arith.constant dense<0.000000e+00> : vector<8192x64xf32>
    %dot_general3A_25 = tpu.matmul %max3A_20, %get3A_23, %dot_general3A_24 {dimension_numbers = #tpu.dot_dimension_numbers<[1], [1], [0], [0], [0, 0, 1, 0], [], []>, transpose_lhs_hint = false} : vector<8192x128xf32>, vector<64x128xf32>, vector<8192x64xf32> -> vector<8192x64xf32>
    %get3A_26 = arith.constant 0 : index
    %get3A_27 = arith.constant 0 : index
    %get3A_28 = vector.load %arg6[%get3A_26, %get3A_27] : memref<1x64xf32, #tpu.memory_space<vmem>>, vector<1x64xf32>
    %add3A_29 = vector.broadcast %get3A_28 : vector<1x64xf32> to vector<8192x64xf32>
    %add3A_30 = arith.addf %dot_general3A_25, %add3A_29 : vector<8192x64xf32>
    %max3A_31 = arith.constant 0.000000e+00 : f32
    %max3A_32 = vector.broadcast %max3A_31 : f32 to vector<8192x64xf32>
    %max3A_33 = arith.maximumf %add3A_30, %max3A_32 : vector<8192x64xf32>
    %get3A_34 = arith.constant 0 : index
    %get3A_35 = arith.constant 0 : index
    %get3A_36 = vector.load %arg7[%get3A_34, %get3A_35] : memref<1x64xf32, #tpu.memory_space<vmem>>, vector<1x64xf32>
    %mul3A = vector.broadcast %get3A_36 : vector<1x64xf32> to vector<8192x64xf32>
    %mul3A_37 = arith.mulf %max3A_33, %mul3A : vector<8192x64xf32>
    %reduce_sum3A = arith.constant dense<0.000000e+00> : vector<8192xf32>
    %reduce_sum3A_38 = vector.multi_reduction <add>, %mul3A_37, %reduce_sum3A [1] : vector<8192x64xf32> to vector<8192xf32>
    %get3A_39 = arith.constant 0 : index
    %get3A_40 = arith.constant 0 : index
    %get3A_41 = vector.load %arg8[%get3A_39, %get3A_40] : memref<1x1xf32, #tpu.memory_space<vmem>>, vector<1x1xf32>
    %get3A_42 = vector.extract %get3A_41[0, 0] : f32 from vector<1x1xf32>
    %add3A_43 = vector.broadcast %get3A_42 : f32 to vector<8192xf32>
    %add3A_44 = arith.addf %reduce_sum3A_38, %add3A_43 : vector<8192xf32>
    %reshape3A = vector.shape_cast %add3A_44 : vector<8192xf32> to vector<64x128xf32>
    %swap3A = arith.constant 0 : index
    %swap3A_45 = arith.constant 0 : index
    %swap3A_46 = vector.load %arg9[%swap3A, %swap3A_45] : memref<64x128xf32, #tpu.memory_space<vmem>>, vector<64x128xf32>
    tpu.vector_store %arg9[%swap3A, %swap3A_45], %reshape3A {strides = array<i32>} : memref<64x128xf32, #tpu.memory_space<vmem>>, vector<64x128xf32>,
    return
  }
  func.func @transform_0(%arg0: i32) -> (i32, i32) {
    %c0_i32 = arith.constant 0 : i32
    %c0_i32_0 = arith.constant 0 : i32
    return %arg0, %c0_i32 : i32, i32
  }
  func.func @transform_1(%arg0: i32) -> (i32, i32) {
    %c0_i32 = arith.constant 0 : i32
    %c0_i32_0 = arith.constant 0 : i32
    return %arg0, %c0_i32 : i32, i32
  }
  func.func @transform_2(%arg0: i32) -> (i32, i32) {
    %c0_i32 = arith.constant 0 : i32
    %c0_i32_0 = arith.constant 0 : i32
    %c0_i32_1 = arith.constant 0 : i32
    return %c0_i32, %c0_i32_0 : i32, i32
  }
  func.func @transform_3(%arg0: i32) -> (i32, i32) {
    %c0_i32 = arith.constant 0 : i32
    %c0_i32_0 = arith.constant 0 : i32
    %c0_i32_1 = arith.constant 0 : i32
    return %c0_i32, %c0_i32_0 : i32, i32
  }
  func.func @transform_4(%arg0: i32) -> (i32, i32) {
    %c0_i32 = arith.constant 0 : i32
    %c0_i32_0 = arith.constant 0 : i32
    %c0_i32_1 = arith.constant 0 : i32
    return %c0_i32, %c0_i32_0 : i32, i32
  }
  func.func @transform_5(%arg0: i32) -> (i32, i32) {
    %c0_i32 = arith.constant 0 : i32
    %c0_i32_0 = arith.constant 0 : i32
    %c0_i32_1 = arith.constant 0 : i32
    return %c0_i32, %c0_i32_0 : i32, i32
  }
  func.func @transform_6(%arg0: i32) -> (i32, i32) {
    %c0_i32 = arith.constant 0 : i32
    %c0_i32_0 = arith.constant 0 : i32
    %c0_i32_1 = arith.constant 0 : i32
    return %c0_i32, %c0_i32_0 : i32, i32
  }
  func.func @transform_7(%arg0: i32) -> (i32, i32) {
    %c0_i32 = arith.constant 0 : i32
    %c0_i32_0 = arith.constant 0 : i32
    %c0_i32_1 = arith.constant 0 : i32
    return %c0_i32, %c0_i32_0 : i32, i32
  }
  func.func @transform_8(%arg0: i32) -> (i32, i32) {
    %c0_i32 = arith.constant 0 : i32
    %c0_i32_0 = arith.constant 0 : i32
    return %arg0, %c0_i32 : i32, i32
  }
}

</mosaic_0001>

<sc_bundles>
// kernel: kernel.4.cloned.1.call-start
scs
__scs_entry_jumppad:
0x0: {  	(pc) =	sbr.rel $0x88, $3  }
0x1: {  	(tag) =	ssettag $0x0;
	lr =	simm.s32 $0x1  }
0x2: {  	[smem:$0x3F97] =	sst lr;
	_ =	strace $0xD0000000  }
0x3: {  	_ = 	snop  }
0x4: {  	_ = 	snop  }
0x5: {  	_ = 	snop  }
0x6: {  	_ = 	snop  }
0x7: {  	_ = 	snop  }
__scs_overlays_trampoline_lowered:
0x8: {  	[smem:$0x3FA6] =	sst s0  }
0x9: {  	[smem:$0x3FA7] =	sst s1  }
0xa: {  	[smem:$0x3FA8] =	sst s2  }
0xb: {  	[smem:$0x3FA9] =	sst s3  }
0xc: {  	[smem:$0x3FAA] =	sst s4  }
0xd: {  	[smem:$0x3FAB] =	sst s5  }
0xe: {  	[smem:$0x3FAC] =	sst s6  }
0xf: {  	[smem:$0x3FAD] =	sst s7  }
0x10: {  	[smem:$0x3FAE] =	sst s8  }
0x11: {  	[smem:$0x3FAF] =	sst s9;
	s0 =	simm.s32 @!p0 $0x0  }
0x12: {  	s1 =	sld [smem:$0x3F95];
	s0 =	simm.s32 @p0 $0x1  }
0x13: {  	[smem:$0x3FB0] =	sst s0;
	s0 =	simm.s32 @!p1 $0x0  }
0x14: {  	s2 =	sld [smem:$0x3F94];
	s0 =	simm.s32 @p1 $0x1  }
0x15: {  	[smem:$0x3FB1] =	sst s0;
	s0 =	simm.s32 @!p2 $0x0  }
0x16: {  	s3 =	sld [smem:$0x3FDB];
	s0 =	simm.s32 @p2 $0x1  }
0x17: {  	s4 =	simm.s32 $0x1BF5;
	[smem:$0x3FB3] =	sst s0  }
0x18: {  	s0 =	sld [smem:$0x3F96];
	_ =	swait.ge [sflag:s4], $0x0  }
0x19: {  	s7 =	sld [smem:$0x3F97]  }
0x1a: {  	s8 =	sadd.s32 $0xFFFFE003, lr  }
0x1b: {  	s9 =	sadd.s32 $0xFFFFFEF7, lr;
	s5 =	simm.s32 $0xFFFFFFFF;
	p2 =	slt.u32 s8, $0xFFFFF086  }
0x1c: {  	p1 =	slt.u32 s9, $0xF7A;
	s5 =	simm.s32 @!p2 $0x0  }
0x1d: {  	s5 =	simm.s32 @p1 $0x1;
	p0 =	seq.s32 s7, s2  }
0x1e: {  	s7 =	smul.u32 @!p0 $0xF7A, s2;
	p2 =	seq.s32 @!p0 s5, $0x0  }
0x1f: {  	s9 =	smul.u32 $0xF7A, s1;
	s8 =	simm.s32 @!p0 $0x1BF5;
	p2 =	por !p2, p0  }
0x20: {  	[sflag:s8] =	ssyncset.s32 @!p0 $0xFFFFF086;
	s6 =	sadd.s32 @!p0 s3, s7;
	s7 =	simm.s32 @!p0 $0x108  }
0x21: {  	s3 =	sadd.s32 s3, s9;
	s6 =	sadd.s32 @!p0 $0x88, s6;
	s7 =	simm.s32 @p2 $0x1082  }
0x22: {  	[simem:s7], [sflag:s8] =	dma.local @!p0 [hbm:s6], $0xF7A  }
0x23: {  	s9 =	sor.u32 $0xD0000000, s2;
	s6 =	simm.s32 $0x108;
	_ =	swait.ge @!p0 [sflag:s8], $0x0  }
0x24: {  	s3 =	sadd.s32 $0x88, s3;
	s6 =	simm.s32 @!p1 $0x1082;
	[sflag:s4] =	ssyncset.s32 $0xFFFFF086  }
0x25: {  	[simem:s6], [sflag:s4] =	dma.local [hbm:s3], $0xF7A  }
0x26: {  	[smem:$0x3F97] =	sst s1;
	(tag) =	ssettag s2;
	_ =	strace s9  }
0x27: {  	s1 =	sld [smem:$0x3FA7]  }
0x28: {  	s2 =	sld [smem:$0x3FA8]  }
0x29: {  	s4 =	sld [smem:$0x3FAA]  }
0x2a: {  	p0 =	seq.s32 s5, $0x0;
	s5 =	sld [smem:$0x3FAB]  }
0x2b: {  	s6 =	sld [smem:$0x3FAC]  }
0x2c: {  	s7 =	sld [smem:$0x3FAD]  }
0x2d: {  	s3 =	simm.s32 $0x108;
	s8 =	sld [smem:$0x3FAE]  }
0x2e: {  	s3 =	simm.s32 @!p0 $0x1082;
	s9 =	sld [smem:$0x3FAF]  }
0x2f: {  	lr =	sadd.s32 s0, s3;
	s0 =	sld [smem:$0x3FA6]  }
0x30: {  	s3 =	sld [smem:$0x3FA9]  }
0x31: {  	[smem:$0x3FB2] =	sst s10  }
0x32: {  	s10 =	sld [smem:$0x3FB0];
	_ =	sdelay $0x3  }
0x33: {  	p0 =	seq.s32 s10, $0x1;
	s10 =	sld [smem:$0x3FB2];
	_ =	sdelay $0x3  }
0x34: {  	[smem:$0x3FB2] =	sst s10  }
0x35: {  	s10 =	sld [smem:$0x3FB1];
	_ =	sdelay $0x3  }
0x36: {  	p1 =	seq.s32 s10, $0x1;
	s10 =	sld [smem:$0x3FB2];
	_ =	sdelay $0x3  }
0x37: {  	[smem:$0x3FB2] =	sst s10  }
0x38: {  	s10 =	sld [smem:$0x3FB3]  }
0x39: {  	_ = 	snop;
	(pc) =	sbr.ind lr, $3  }
0x3a: {  	_ = 	snop  }
0x3b: {  	_ = 	snop  }
0x3c: {  	p2 =	seq.s32 s10, $0x1;
	s10 =	sld [smem:$0x3FB2]  }
0x3d: {  	_ =	shalt  }
0x3e: {  	_ =	shalt  }
0x3f: {  	_ =	shalt  }
0x40: {  	_ =	shalt  }
0x41: {  	_ =	shalt  }
0x42: {  	_ =	shalt  }
0x43: {  	_ =	shalt  }
0x44: {  	_ =	shalt  }
0x45: {  	_ =	shalt  }
0x46: {  	_ =	shalt  }
0x47: {  	_ =	shalt  }
0x48: {  	_ =	shalt  }
0x49: {  	_ =	shalt  }
0x4a: {  	_ =	shalt  }
0x4b: {  	_ =	shalt  }
0x4c: {  	_ =	shalt  }
0x4d: {  	_ =	shalt  }
0x4e: {  	_ =	shalt  }
0x4f: {  	_ =	shalt  }
0x50: {  	_ =	shalt  }
0x51: {  	_ =	shalt  }
0x52: {  	_ =	shalt  }
0x53: {  	_ =	shalt  }
0x54: {  	_ =	shalt  }
0x55: {  	_ =	shalt  }
0x56: {  	_ =	shalt  }
0x57: {  	_ =	shalt  }
0x58: {  	_ =	shalt  }
0x59: {  	_ =	shalt  }
0x5a: {  	_ =	shalt  }
0x5b: {  	_ =	shalt  }
0x5c: {  	_ =	shalt  }
0x5d: {  	_ =	shalt  }
0x5e: {  	_ =	shalt  }
0x5f: {  	_ =	shalt  }
0x60: {  	_ =	shalt  }
0x61: {  	_ =	shalt  }
0x62: {  	_ =	shalt  }
0x63: {  	_ =	shalt  }
0x64: {  	_ =	shalt  }
0x65: {  	_ =	shalt  }
0x66: {  	_ =	shalt  }
0x67: {  	_ =	shalt  }
0x68: {  	_ =	shalt  }
0x69: {  	_ =	shalt  }
0x6a: {  	_ =	shalt  }
0x6b: {  	_ =	shalt  }
0x6c: {  	_ =	shalt  }
0x6d: {  	_ =	shalt  }
0x6e: {  	_ =	shalt  }
0x6f: {  	_ =	shalt  }
0x70: {  	_ =	shalt  }
0x71: {  	_ =	shalt  }
0x72: {  	_ =	shalt  }
0x73: {  	_ =	shalt  }
0x74: {  	_ =	shalt  }
0x75: {  	_ =	shalt  }
0x76: {  	_ =	shalt  }
0x77: {  	_ =	shalt  }
0x78: {  	_ =	shalt  }
0x79: {  	_ =	shalt  }
0x7a: {  	_ =	shalt  }
0x7b: {  	_ =	shalt  }
0x7c: {  	_ =	shalt  }
0x7d: {  	_ =	shalt  }
0x7e: {  	_ =	shalt  }
0x7f: {  	_ =	shalt  }
0x80: {  	_ =	shalt  }
0x81: {  	_ =	shalt  }
0x82: {  	_ =	shalt  }
0x83: {  	_ =	shalt  }
0x84: {  	_ =	shalt  }
0x85: {  	_ =	shalt  }
0x86: {  	_ =	shalt  }
0x87: {  	_ =	shalt  }
.Lfunc_end0:
.L_simem_size_0:
called_computation_lowered:
.L_overlay_start_0:
0x88: {  	s2 =	sld [smem:$0x3FD9]  }
0x89: {  	s3 =	sld [smem:$0x3FFE];
	_ =	sdelay $0x1  }
0x8a: {  	s1 =	srdreg.scid  }
0x8b: {  	s0 =	sand.u32 $0x1, s1  }
0x8c: {  	s17 =	sshll.u32 s0, $0xA;
	s2 =	sadd.s32 s3, s2  }
0x8d: {  	s2 =	sadd.s32 s2, s17  }
0x8e: {  	[smem:$0x3FBE] =	sst s2  }
0x8f: {  	_ = 	snop  }
0x90: {  	s2 =	sld [smem:$0x3FC9]  }
0x91: {  	s18 =	sld [smem:$0x3FC8]  }
0x92: {  	s4 =	sld [smem:$0x3FC7]  }
0x93: {  	s5 =	sld [smem:$0x3FC6];
	(tm) =	ssettm $0x1  }
0x94: {  	s6 =	sld [smem:$0x3FFB];
	_ =	sdelay $0x3  }
0x95: {  	_ =	strace s6  }
0x96: {  	s6 =	sld [smem:$0x3FFC];
	_ =	sdelay $0x3  }
0x97: {  	_ =	strace s6  }
0x98: {  	s6 =	sld [smem:$0x3FFD];
	_ =	sdelay $0x3  }
0x99: {  	_ =	strace s6  }
0x9a: {  	_ =	strace $0x8FFFFFFF  }
0x9b: {  	s19 =	sld [smem:$0x3FDB];
	_ =	sdelay $0x1  }
0x9c: {  	s7 =	simm.s32 $_scs_section_size  }
0x9d: {  	s8 =	simm.s32 $_size__tile_overlayer_lowered;
	s9 =	simm.s32 $_tile_overlayer_lowered  }
0x9e: {  	s22 =	simm.s32 $0x1BFF;
	s21 =	sshll.u32 s9, $0x1;
	s6 =	sadd.s32 s7, s19  }
0x9f: {  	s10 =	simm.s32 $0x0;
	s20 =	sshll.u32 s8, $0x1;
	s8 =	sadd.s32 s21, s6  }
0xa0: {  	[timem:s10], [sflag:s22] =	dma.local [hbm:s8], s20  }
0xa1: {  	_ =	swait.ge [sflag:s22], s20  }
0xa2: {  	s7 =	ssub.s32 $0x0, s20;
	[sflag:s22] =	ssyncset.done $0x0  }
0xa3: {  	[sflag:s22] =	ssyncadd.s32 s7;
	_ =	sdelay $0x1  }
0xa4: {  	s23 =	simm.s32 $0x1B8B  }
0xa5: {  	_ =	swait.ge [sflag:s23], $0x1  }
0xa6: {  	[sflag:s23] =	ssyncset.done $0x0  }
0xa7: {  	s25 =	simm.s32 $0x1B8E;
	s24 =	sld [smem:$0x3FFE];
	[sflag:s23] =	ssyncadd.s32 $0xFFFFFFFF  }
0xa8: {  	s26 =	simm.s32 $execute0_lowered;
	[smem:$0x3FD2] =	sst s25  }
0xa9: {  	s8 =	sshll.u32 s26, $0x1;
	_ =	strace $0x80000046;
	[dreg:$0x1] =	wrdreg $0xFFFFFFFF  }
0xaa: {  	s28 =	simm.s32 $_size_execute0_lowered;
	s6 =	sadd.s32 s6, s8;
	[dreg:$0x0] =	wrdreg $0x0  }
0xab: {  	s8 =	sshll.u32 s28, $0x1;
	[dreg:$0x2] =	wrdreg s6  }
0xac: {  	[dreg:$0x3] =	wrdreg s8  }
0xad: {  	[dreg:$0x4] =	wrdreg $0xC0  }
0xae: {  	_ =	task [dreg:s10], $0x5FFFF  }
0xaf: {  	[dreg:$0x1] =	wrdreg $0xFFFFFFFF  }
0xb0: {  	[dreg:$0x0] =	wrdreg $0x60  }
0xb1: {  	[dreg:$0x2] =	wrdreg s2  }
0xb2: {  	[dreg:$0x3] =	wrdreg s18  }
0xb3: {  	[dreg:$0x4] =	wrdreg s4  }
0xb4: {  	[dreg:$0x5] =	wrdreg s5  }
0xb5: {  	[dreg:$0x6] =	wrdreg s24  }
0xb6: {  	[dreg:$0x7] =	wrdreg $0x9  }
0xb7: {  	_ =	task.clear_ibuf [dreg:s10], $0x8FFFF;
	_ =	strace $0x90000046  }
0xb8: {  	s29 =	simm.s32 $0x9;
	_ =	strace $0x80000048  }
0xb9: {  	_ =	swait.ge [sflag:s29], $0x1  }
0xba: {  	[sflag:s29] =	ssyncadd.s32 $0xFFFFFFFF  }
0xbb: {  	_ =	strace $0x90000048  }
0xbc: {  	_ =	sfence  }
0xbd: {  	s30 =	sld [smem:$0x0];
	_ =	sdelay $0x2  }
0xbe: {  	s31 =	sshll.u32 s1, $0xD;
	s1 =	sshrl.u32 s1, $0x2  }
0xbf: {  	s3 =	sand.u32 $0x4000, s31;
	s1 =	sadd.s32 s1, s30  }
0xc0: {  	s0 =	sor.u32 s3, s0;
	s1 =	sshll.u32 s1, $0x11  }
0xc1: {  	s0 =	sor.u32 s1, s0  }
0xc2: {  	s0 =	sadd.s32 $0x8F2B, s0  }
0xc3: {  	[sflag:s0] =	ssyncadd.remote.s32 $0x1  }
0xc4: {  	_ =	sfence.sel $0xFFFF  }
0xc5: {  	[dreg:$0x0] =	wrdreg $0xFFFFFFFF;
	(pc) =	sbr.abs _section_cstart, $3  }
0xc6: {  	[dreg:$0x1] =	wrdreg $0xFFFFFFFF  }
0xc7: {  	_ =	task.clear_ibuf [dreg:s10], $0x2FFFF;
	_ =	strace $0x9FFFFFFF  }
0xc8: {  	(tm) =	ssettm $0x7FFFFFFF  }
0xc9: {  	_ =	shalt  }
tec
execute0_lowered:
.L_overlay_start_1:
0x0: {  	(tag) =	ssettag $0x1  }
0x1: {  	s0 =	rddreg [dreg:$0x0]  }
0x2: {  	s1 =	rddreg [dreg:$0x1]  }
0x3: {  	s3 =	rddreg [dreg:$0x2]  }
0x4: {  	s2 =	srdreg.scid;
	s4 =	rddreg [dreg:$0x3]  }
0x5: {  	s7 =	stileid.u32;
	s6 =	rddreg [dreg:$0x4];
	s26 =	simm.s32 $0x200  }
0x6: {  	s29 =	simm.s32 $0xD;
	s28 =	simm.s32 $0xE;
	s25 =	simm.s32 $0x280  }
0x7: {  	s31 =	simm.s32 $0x300;
	s30 =	simm.s32 $0x380;
	p0 =	por $0x0, $0x0  }
0x8: {  	s10 =	simm.s32 $0xC;
	s5 =	sand.u32 $0x1, s2;
	s7 =	sshll.u32 s7, $0xA  }
0x9: {  	s2 =	simm.s32 $0x0;
	s9 =	sadd.s32 $0x1600, s6;
	s6 =	sadd.s32 $0x41600, s6  }
0xa: {  	s8 =	sshll.u32 s5, $0x9;
	[smem:$0x7FF] =	sst s2;
	s5 =	ssub.s32 $0x2, s5  }
0xb: {  	s7 =	sor.u32 s8, s7;
	_ =	strace $0x80000047;
	s21 =	sshrl.u32 s5, $0x1  }
0xc: {  	[dreg:$0x10] =	wrdreg s25;
	s25 =	simm.s32 $0x180;
	s8 =	sshrl.u32 s7, $0x3  }
0xd: {  	s12 =	sshll.u32 s7, $0x4;
	s23 =	ssub.s32 s5, s21;
	s5 =	simm.s32 $0xA  }
0xe: {  	s21 =	simm.s32 $0x3;
	s0 =	sadd.s32 s0, s8;
	s11 =	sadd.s32 s1, s8  }
0xf: {  	s13 =	sadd.s32 s9, s12;
	s14 =	sadd.s32 s6, s12;
	s7 =	sor.u32 $0x800, s12  }
0x10: {  	s17 =	sor.u32 $0x1000, s12;
	s1 =	sor.u32 $0x1800, s12;
	[dreg:$0x6] =	wrdreg s0  }
0x11: {  	s24 =	smax.u32 s23, $0x1;
	s8 =	simm.s32 $0xC400;
	[dreg:$0x7] =	wrdreg s11  }
0x12: {  	s12 =	simm.s32 $0x1;
	s23 =	simm.s32 $0x2;
	[dreg:$0x8] =	wrdreg s13  }
0x13: {  	[dreg:$0x9] =	wrdreg s14;
	s15 =	sadd.s32 s9, s7;
	s16 =	sadd.s32 s6, s7  }
0x14: {  	s18 =	sadd.s32 s9, s17;
	s19 =	sadd.s32 s6, s17;
	s20 =	sadd.s32 s9, s1  }
0x15: {  	s22 =	sadd.s32 s6, s1;
	s7 =	simm.s32 $0x400;
	[dreg:$0xa] =	wrdreg s15  }
0x16: {  	s17 =	simm.s32 $0x4400;
	s13 =	simm.s32 $0x8400;
	[dreg:$0xb] =	wrdreg s16  }
0x17: {  	s9 =	simm.s32 $0x4;
	p1 =	sne.s32 s24, $0x1;
	[dreg:$0xc] =	wrdreg s18  }
.Ltmp0:
0x18: {  	s6 =	simm.s32 $0x7;
	[dreg:$0xd] =	wrdreg s19;
	(pc) =	sbr.rel @!p1 .LBB2_1-.Ltmp0, $4  }
0x19: {  	s24 =	sadd.s32 $0xFFFFFFFF, s24;
	s14 =	simm.s32 $0xB;
	[dreg:$0xe] =	wrdreg s20  }
0x1a: {  	s11 =	simm.s32 $0x9;
	[dreg:$0xf] =	wrdreg s22;
	s19 =	simm.s32 $0x80  }
0x1b: {  	s18 =	simm.s32 $0x10400;
	s15 =	simm.s32 $0x14400;
	s22 =	simm.s32 $0x5  }
0x1c: {  	s20 =	simm.s32 $0x6;
	s16 =	simm.s32 $0x8;
	s0 =	rddreg [dreg:$0x6]  }
0x1d: {  	[tilespmem:s2], [sflag:$0xD] =	stream.linear.gather [hbm4b:s0+s2], $0x200, $0x38;
	[tilespmem:$0x18400] =	vst v63  }
0x1e: {  	s1 =	rddreg [dreg:$0x7]  }
0x1f: {  	[tilespmem:s26], [sflag:$0xE] =	stream.linear.gather [hbm4b:s1+s2], $0x200, $0x38;
	[tilespmem:$0x18400] =	vst v63  }
0x20: {  	_ =	swait.ge [sflag:s29], $0x200  }
0x21: {  	[sflag:s29] =	ssyncset.done $0x0  }
0x22: {  	[sflag:s29] =	ssyncadd.s32 $0xFFFFFE00  }
0x23: {  	_ =	swait.ge [sflag:s28], $0x200  }
0x24: {  	[sflag:s28] =	ssyncset.done $0x0  }
0x25: {  	[sflag:s28] =	ssyncadd.s32 $0xFFFFFE00  }
0x26: {  	[tilespmem:s7], [sflag:$0x1] =	stream.indirect.gather [hbm4b:s3+s19], $0x80, s2, s19, $0xb8;
	[tilespmem:$0x18400] =	vst v63  }
0x27: {  	_ = 	snop  }
0x28: {  	[tilespmem:s8], [sflag:$0x4] =	stream.indirect.gather [hbm4b:s4+s19], $0x80, s26, s19, $0xb8;
	[tilespmem:$0x18400] =	vst v63  }
0x29: {  	_ = 	snop  }
0x2a: {  	[tilespmem:s17], [sflag:$0x2] =	stream.indirect.gather [hbm4b:s3+s19], $0x80, s19, s19, $0xb8;
	[tilespmem:$0x18400] =	vst v63  }
0x2b: {  	s1 =	rddreg [dreg:$0x10]  }
0x2c: {  	[tilespmem:s18], [sflag:$0x5] =	stream.indirect.gather [hbm4b:s4+s19], $0x80, s1, s19, $0xb8;
	[tilespmem:$0x18400] =	vst v63  }
0x2d: {  	s1 =	simm.s32 $0x100  }
0x2e: {  	[tilespmem:s13], [sflag:$0x3] =	stream.indirect.gather [hbm4b:s3+s19], $0x80, s1, s19, $0xb8;
	[tilespmem:$0x18400] =	vst v63  }
0x2f: {  	_ = 	snop  }
0x30: {  	[tilespmem:s15], [sflag:$0x6] =	stream.indirect.gather [hbm4b:s4+s19], $0x80, s31, s19, $0xb8;
	[tilespmem:$0x18400] =	vst v63  }
0x31: {  	_ =	swait.ge [sflag:s12], $0x4000  }
0x32: {  	[sflag:s12] =	ssyncset.done $0x0  }
0x33: {  	[sflag:s12] =	ssyncadd.s32 $0xFFFFC000  }
0x34: {  	_ =	swait.ge [sflag:s9], $0x4000  }
0x35: {  	[sflag:s9] =	ssyncset.done $0x0  }
0x36: {  	s0 =	rddreg [dreg:$0x8];
	[sflag:s9] =	ssyncadd.s32 $0xFFFFC000  }
0x37: {  	[hbm4b:s0+s2] =	stream.linear.scatter [tilespmem:s7], [sflag:$0x7], $0x4000, $0x38;
	[tilespmem:$0x18400] =	vst v63  }
0x38: {  	s1 =	rddreg [dreg:$0x9]  }
0x39: {  	[hbm4b:s1+s2] =	stream.linear.scatter [tilespmem:s8], [sflag:$0xA], $0x4000, $0x38;
	[tilespmem:$0x18400] =	vst v63  }
0x3a: {  	_ =	swait.ge [sflag:s6], $0x4000  }
0x3b: {  	[sflag:s6] =	ssyncset.done $0x0  }
0x3c: {  	[sflag:s6] =	ssyncadd.s32 $0xFFFFC000  }
0x3d: {  	_ =	swait.ge [sflag:s5], $0x4000  }
0x3e: {  	[sflag:s5] =	ssyncset.done $0x0  }
0x3f: {  	[sflag:s5] =	ssyncadd.s32 $0xFFFFC000  }
0x40: {  	[tilespmem:s7], [sflag:$0x1] =	stream.indirect.gather [hbm4b:s3+s19], $0x80, s25, s19, $0xb8;
	[tilespmem:$0x18400] =	vst v63  }
0x41: {  	_ = 	snop  }
0x42: {  	[tilespmem:s8], [sflag:$0x4] =	stream.indirect.gather [hbm4b:s4+s19], $0x80, s30, s19, $0xb8;
	[tilespmem:$0x18400] =	vst v63  }
0x43: {  	_ =	swait.ge [sflag:s23], $0x4000  }
0x44: {  	[sflag:s23] =	ssyncset.done $0x0  }
0x45: {  	[sflag:s23] =	ssyncadd.s32 $0xFFFFC000  }
0x46: {  	_ =	swait.ge [sflag:s22], $0x4000  }
0x47: {  	[sflag:s22] =	ssyncset.done $0x0  }
0x48: {  	s0 =	rddreg [dreg:$0xa];
	[sflag:s22] =	ssyncadd.s32 $0xFFFFC000  }
0x49: {  	[hbm4b:s0+s2] =	stream.linear.scatter [tilespmem:s17], [sflag:$0x8], $0x4000, $0x38;
	[tilespmem:$0x18400] =	vst v63  }
0x4a: {  	s1 =	rddreg [dreg:$0xb]  }
0x4b: {  	[hbm4b:s1+s2] =	stream.linear.scatter [tilespmem:s18], [sflag:$0xB], $0x4000, $0x38;
	[tilespmem:$0x18400] =	vst v63  }
0x4c: {  	_ =	swait.ge [sflag:s21], $0x4000  }
0x4d: {  	[sflag:s21] =	ssyncset.done $0x0  }
0x4e: {  	[sflag:s21] =	ssyncadd.s32 $0xFFFFC000  }
0x4f: {  	_ =	swait.ge [sflag:s20], $0x4000  }
0x50: {  	[sflag:s20] =	ssyncset.done $0x0  }
0x51: {  	s0 =	rddreg [dreg:$0xc];
	[sflag:s20] =	ssyncadd.s32 $0xFFFFC000  }
0x52: {  	[hbm4b:s0+s2] =	stream.linear.scatter [tilespmem:s13], [sflag:$0x9], $0x4000, $0x38;
	[tilespmem:$0x18400] =	vst v63  }
0x53: {  	s1 =	rddreg [dreg:$0xd]  }
0x54: {  	[hbm4b:s1+s2] =	stream.linear.scatter [tilespmem:s15], [sflag:$0xC], $0x4000, $0x38;
	[tilespmem:$0x18400] =	vst v63  }
0x55: {  	_ =	swait.ge [sflag:s12], $0x4000  }
0x56: {  	[sflag:s12] =	ssyncset.done $0x0  }
0x57: {  	[sflag:s12] =	ssyncadd.s32 $0xFFFFC000  }
0x58: {  	_ =	swait.ge [sflag:s9], $0x4000  }
0x59: {  	[sflag:s9] =	ssyncset.done $0x0  }
0x5a: {  	s0 =	rddreg [dreg:$0xe];
	[sflag:s9] =	ssyncadd.s32 $0xFFFFC000  }
0x5b: {  	[hbm4b:s0+s2] =	stream.linear.scatter [tilespmem:s7], [sflag:$0x7], $0x4000, $0x38;
	[tilespmem:$0x18400] =	vst v63  }
0x5c: {  	s1 =	rddreg [dreg:$0xf]  }
0x5d: {  	[hbm4b:s1+s2] =	stream.linear.scatter [tilespmem:s8], [sflag:$0xA], $0x4000, $0x38;
	[tilespmem:$0x18400] =	vst v63  }
0x5e: {  	_ =	swait.ge [sflag:s16], $0x4000  }
0x5f: {  	[sflag:s16] =	ssyncset.done $0x0  }
0x60: {  	[sflag:s16] =	ssyncadd.s32 $0xFFFFC000  }
0x61: {  	_ =	swait.ge [sflag:s14], $0x4000  }
0x62: {  	[sflag:s14] =	ssyncset.done $0x0  }
0x63: {  	[sflag:s14] =	ssyncadd.s32 $0xFFFFC000  }
0x64: {  	_ =	swait.ge [sflag:s11], $0x4000  }
0x65: {  	[sflag:s11] =	ssyncset.done $0x0  }
0x66: {  	[sflag:s11] =	ssyncadd.s32 $0xFFFFC000  }
0x67: {  	_ =	swait.ge [sflag:s10], $0x4000  }
0x68: {  	[sflag:s10] =	ssyncset.done $0x0  }
0x69: {  	p1 =	sne.s32 s24, $0x1;
	[sflag:s10] =	ssyncadd.s32 $0xFFFFC000  }
.Ltmp1:
0x6a: {  	_ =	swait.ge [sflag:s6], $0x4000;
	(pc) =	sbr.rel @!p1 .LBB2_3-.Ltmp1, $4  }
0x6b: {  	[sflag:s6] =	ssyncset.done $0x0  }
0x6c: {  	[sflag:s6] =	ssyncadd.s32 $0xFFFFC000  }
0x6d: {  	p0 =	por $0x1, $0x1;
	_ =	swait.ge [sflag:s5], $0x4000  }
0x6e: {  	s1 =	sadd.s32 $0xFFFFFFFF, s24;
	s0 =	rddreg [dreg:$0x6];
	[sflag:s5] =	ssyncset.done $0x0  }
.LBB2_4:
0x6f: {  	[sflag:s5] =	ssyncadd.s32 $0xFFFFC000  }
0x70: {  	[tilespmem:s2], [sflag:$0xD] =	stream.linear.gather [hbm4b:s0+s2], $0x200, $0x38;
	[tilespmem:$0x18400] =	vst v63  }
0x71: {  	s24 =	rddreg [dreg:$0x7]  }
0x72: {  	[tilespmem:s26], [sflag:$0xE] =	stream.linear.gather [hbm4b:s24+s2], $0x200, $0x38;
	[tilespmem:$0x18400] =	vst v63  }
0x73: {  	_ =	swait.ge [sflag:s29], $0x200  }
0x74: {  	[sflag:s29] =	ssyncset.done $0x0  }
0x75: {  	[sflag:s29] =	ssyncadd.s32 $0xFFFFFE00  }
0x76: {  	_ =	swait.ge [sflag:s28], $0x200  }
0x77: {  	[sflag:s28] =	ssyncset.done $0x0  }
0x78: {  	[sflag:s28] =	ssyncadd.s32 $0xFFFFFE00  }
0x79: {  	[tilespmem:s7], [sflag:$0x1] =	stream.indirect.gather [hbm4b:s3+s19], $0x80, s2, s19, $0xb8;
	[tilespmem:$0x18400] =	vst v63  }
0x7a: {  	_ = 	snop  }
0x7b: {  	[tilespmem:s8], [sflag:$0x4] =	stream.indirect.gather [hbm4b:s4+s19], $0x80, s26, s19, $0xb8;
	[tilespmem:$0x18400] =	vst v63  }
0x7c: {  	_ = 	snop  }
0x7d: {  	[tilespmem:s17], [sflag:$0x2] =	stream.indirect.gather [hbm4b:s3+s19], $0x80, s19, s19, $0xb8;
	[tilespmem:$0x18400] =	vst v63  }
0x7e: {  	s24 =	rddreg [dreg:$0x10]  }
0x7f: {  	[tilespmem:s18], [sflag:$0x5] =	stream.indirect.gather [hbm4b:s4+s19], $0x80, s24, s19, $0xb8;
	[tilespmem:$0x18400] =	vst v63  }
0x80: {  	s24 =	simm.s32 $0x100  }
0x81: {  	[tilespmem:s13], [sflag:$0x3] =	stream.indirect.gather [hbm4b:s3+s19], $0x80, s24, s19, $0xb8;
	[tilespmem:$0x18400] =	vst v63  }
0x82: {  	_ = 	snop  }
0x83: {  	[tilespmem:s15], [sflag:$0x6] =	stream.indirect.gather [hbm4b:s4+s19], $0x80, s31, s19, $0xb8;
	[tilespmem:$0x18400] =	vst v63  }
0x84: {  	_ =	swait.ge [sflag:s12], $0x4000  }
0x85: {  	[sflag:s12] =	ssyncset.done $0x0  }
0x86: {  	[sflag:s12] =	ssyncadd.s32 $0xFFFFC000  }
0x87: {  	_ =	swait.ge [sflag:s9], $0x4000  }
0x88: {  	[sflag:s9] =	ssyncset.done $0x0  }
0x89: {  	s0 =	rddreg [dreg:$0x8];
	[sflag:s9] =	ssyncadd.s32 $0xFFFFC000  }
0x8a: {  	[hbm4b:s0+s2] =	stream.linear.scatter [tilespmem:s7], [sflag:$0x7], $0x4000, $0x38;
	[tilespmem:$0x18400] =	vst v63  }
0x8b: {  	s24 =	rddreg [dreg:$0x9]  }
0x8c: {  	[hbm4b:s24+s2] =	stream.linear.scatter [tilespmem:s8], [sflag:$0xA], $0x4000, $0x38;
	[tilespmem:$0x18400] =	vst v63  }
0x8d: {  	_ =	swait.ge [sflag:s6], $0x4000  }
0x8e: {  	[sflag:s6] =	ssyncset.done $0x0  }
0x8f: {  	[sflag:s6] =	ssyncadd.s32 $0xFFFFC000  }
0x90: {  	_ =	swait.ge [sflag:s5], $0x4000  }
0x91: {  	[sflag:s5] =	ssyncset.done $0x0  }
0x92: {  	[sflag:s5] =	ssyncadd.s32 $0xFFFFC000  }
0x93: {  	[tilespmem:s7], [sflag:$0x1] =	stream.indirect.gather [hbm4b:s3+s19], $0x80, s25, s19, $0xb8;
	[tilespmem:$0x18400] =	vst v63  }
0x94: {  	_ = 	snop  }
0x95: {  	[tilespmem:s8], [sflag:$0x4] =	stream.indirect.gather [hbm4b:s4+s19], $0x80, s30, s19, $0xb8;
	[tilespmem:$0x18400] =	vst v63  }
0x96: {  	_ =	swait.ge [sflag:s23], $0x4000  }
0x97: {  	[sflag:s23] =	ssyncset.done $0x0  }
0x98: {  	[sflag:s23] =	ssyncadd.s32 $0xFFFFC000  }
0x99: {  	_ =	swait.ge [sflag:s22], $0x4000  }
0x9a: {  	[sflag:s22] =	ssyncset.done $0x0  }
0x9b: {  	s0 =	rddreg [dreg:$0xa];
	[sflag:s22] =	ssyncadd.s32 $0xFFFFC000  }
0x9c: {  	[hbm4b:s0+s2] =	stream.linear.scatter [tilespmem:s17], [sflag:$0x8], $0x4000, $0x38;
	[tilespmem:$0x18400] =	vst v63  }
0x9d: {  	s24 =	rddreg [dreg:$0xb]  }
0x9e: {  	[hbm4b:s24+s2] =	stream.linear.scatter [tilespmem:s18], [sflag:$0xB], $0x4000, $0x38;
	[tilespmem:$0x18400] =	vst v63  }
0x9f: {  	_ =	swait.ge [sflag:s21], $0x4000  }
0xa0: {  	[sflag:s21] =	ssyncset.done $0x0  }
0xa1: {  	[sflag:s21] =	ssyncadd.s32 $0xFFFFC000  }
0xa2: {  	_ =	swait.ge [sflag:s20], $0x4000  }
0xa3: {  	[sflag:s20] =	ssyncset.done $0x0  }
0xa4: {  	s0 =	rddreg [dreg:$0xc];
	[sflag:s20] =	ssyncadd.s32 $0xFFFFC000  }
0xa5: {  	[hbm4b:s0+s2] =	stream.linear.scatter [tilespmem:s13], [sflag:$0x9], $0x4000, $0x38;
	[tilespmem:$0x18400] =	vst v63  }
0xa6: {  	s24 =	rddreg [dreg:$0xd]  }
0xa7: {  	[hbm4b:s24+s2] =	stream.linear.scatter [tilespmem:s15], [sflag:$0xC], $0x4000, $0x38;
	[tilespmem:$0x18400] =	vst v63  }
0xa8: {  	_ =	swait.ge [sflag:s12], $0x4000  }
0xa9: {  	[sflag:s12] =	ssyncset.done $0x0  }
0xaa: {  	[sflag:s12] =	ssyncadd.s32 $0xFFFFC000  }
0xab: {  	_ =	swait.ge [sflag:s9], $0x4000  }
0xac: {  	[sflag:s9] =	ssyncset.done $0x0  }
0xad: {  	s0 =	rddreg [dreg:$0xe];
	[sflag:s9] =	ssyncadd.s32 $0xFFFFC000  }
0xae: {  	[hbm4b:s0+s2] =	stream.linear.scatter [tilespmem:s7], [sflag:$0x7], $0x4000, $0x38;
	[tilespmem:$0x18400] =	vst v63  }
0xaf: {  	s24 =	rddreg [dreg:$0xf]  }
0xb0: {  	[hbm4b:s24+s2] =	stream.linear.scatter [tilespmem:s8], [sflag:$0xA], $0x4000, $0x38;
	[tilespmem:$0x18400] =	vst v63  }
0xb1: {  	_ =	swait.ge [sflag:s16], $0x4000  }
0xb2: {  	[sflag:s16] =	ssyncset.done $0x0  }
0xb3: {  	[sflag:s16] =	ssyncadd.s32 $0xFFFFC000  }
0xb4: {  	_ =	swait.ge [sflag:s14], $0x4000  }
0xb5: {  	[sflag:s14] =	ssyncset.done $0x0  }
0xb6: {  	[sflag:s14] =	ssyncadd.s32 $0xFFFFC000  }
0xb7: {  	_ =	swait.ge [sflag:s11], $0x4000  }
0xb8: {  	[sflag:s11] =	ssyncset.done $0x0  }
0xb9: {  	[sflag:s11] =	ssyncadd.s32 $0xFFFFC000  }
0xba: {  	_ =	swait.ge [sflag:s10], $0x4000  }
0xbb: {  	[sflag:s10] =	ssyncset.done $0x0  }
0xbc: {  	p1 =	sne.s32 s1, $0x1;
	[sflag:s10] =	ssyncadd.s32 $0xFFFFC000  }
.Ltmp2:
0xbd: {  	_ =	swait.ge [sflag:s6], $0x4000;
	(pc) =	sbr.rel @p1 .LBB2_4-.Ltmp2, $4  }
0xbe: {  	[sflag:s6] =	ssyncset.done $0x0  }
0xbf: {  	[sflag:s6] =	ssyncadd.s32 $0xFFFFC000  }
0xc0: {  	_ =	swait.ge [sflag:s5], $0x4000  }
0xc1: {  	s1 =	sadd.s32 $0xFFFFFFFF, s1;
	s0 =	rddreg [dreg:$0x6];
	[sflag:s5] =	ssyncset.done $0x0  }
0xc2: {  	s24 =	simm.s32 $0x300  }
0xc3: {  	s31 =	simm.s32 $0x100;
	s30 =	simm.s32 $0x380;
	s25 =	simm.s32 $0x180  }
.LBB2_6:
0xc4: {  	[sflag:s5] =	ssyncadd.s32 @p0 $0xFFFFC000  }
0xc5: {  	[tilespmem:s2], [sflag:$0xD] =	stream.linear.gather [hbm4b:s0+s2], $0x200, $0x38;
	[tilespmem:$0x18400] =	vst v63  }
0xc6: {  	s1 =	rddreg [dreg:$0x7]  }
0xc7: {  	[tilespmem:s26], [sflag:$0xE] =	stream.linear.gather [hbm4b:s1+s2], $0x200, $0x38;
	[tilespmem:$0x18400] =	vst v63  }
0xc8: {  	_ =	swait.ge [sflag:s29], $0x200  }
0xc9: {  	[sflag:s29] =	ssyncset.done $0x0  }
0xca: {  	[sflag:s29] =	ssyncadd.s32 $0xFFFFFE00  }
0xcb: {  	_ =	swait.ge [sflag:s28], $0x200  }
0xcc: {  	[sflag:s28] =	ssyncset.done $0x0  }
0xcd: {  	[sflag:s28] =	ssyncadd.s32 $0xFFFFFE00  }
0xce: {  	[tilespmem:s7], [sflag:$0x1] =	stream.indirect.gather [hbm4b:s3+s19], $0x80, s2, s19, $0xb8;
	[tilespmem:$0x18400] =	vst v63  }
0xcf: {  	_ = 	snop  }
0xd0: {  	[tilespmem:s8], [sflag:$0x4] =	stream.indirect.gather [hbm4b:s4+s19], $0x80, s26, s19, $0xb8;
	[tilespmem:$0x18400] =	vst v63  }
0xd1: {  	_ = 	snop  }
0xd2: {  	[tilespmem:s17], [sflag:$0x2] =	stream.indirect.gather [hbm4b:s3+s19], $0x80, s19, s19, $0xb8;
	[tilespmem:$0x18400] =	vst v63  }
0xd3: {  	s28 =	rddreg [dreg:$0x10]  }
0xd4: {  	[tilespmem:s18], [sflag:$0x5] =	stream.indirect.gather [hbm4b:s4+s19], $0x80, s28, s19, $0xb8;
	[tilespmem:$0x18400] =	vst v63  }
0xd5: {  	_ = 	snop  }
0xd6: {  	[tilespmem:s13], [sflag:$0x3] =	stream.indirect.gather [hbm4b:s3+s19], $0x80, s31, s19, $0xb8;
	[tilespmem:$0x18400] =	vst v63  }
0xd7: {  	_ = 	snop  }
0xd8: {  	[tilespmem:s15], [sflag:$0x6] =	stream.indirect.gather [hbm4b:s4+s19], $0x80, s24, s19, $0xb8;
	[tilespmem:$0x18400] =	vst v63  }
0xd9: {  	_ =	swait.ge [sflag:s12], $0x4000  }
0xda: {  	[sflag:s12] =	ssyncset.done $0x0  }
0xdb: {  	[sflag:s12] =	ssyncadd.s32 $0xFFFFC000  }
0xdc: {  	_ =	swait.ge [sflag:s9], $0x4000  }
0xdd: {  	[sflag:s9] =	ssyncset.done $0x0  }
0xde: {  	s29 =	rddreg [dreg:$0x8];
	[sflag:s9] =	ssyncadd.s32 $0xFFFFC000  }
0xdf: {  	[hbm4b:s29+s2] =	stream.linear.scatter [tilespmem:s7], [sflag:$0x7], $0x4000, $0x38;
	[tilespmem:$0x18400] =	vst v63  }
0xe0: {  	s31 =	rddreg [dreg:$0x9]  }
0xe1: {  	[hbm4b:s31+s2] =	stream.linear.scatter [tilespmem:s8], [sflag:$0xA], $0x4000, $0x38;
	[tilespmem:$0x18400] =	vst v63  }
0xe2: {  	_ =	swait.ge [sflag:s6], $0x4000  }
0xe3: {  	[sflag:s6] =	ssyncset.done $0x0  }
0xe4: {  	[sflag:s6] =	ssyncadd.s32 $0xFFFFC000  }
0xe5: {  	_ =	swait.ge [sflag:s5], $0x4000  }
0xe6: {  	[sflag:s5] =	ssyncset.done $0x0  }
0xe7: {  	[sflag:s5] =	ssyncadd.s32 $0xFFFFC000  }
0xe8: {  	[tilespmem:s7], [sflag:$0x1] =	stream.indirect.gather [hbm4b:s3+s19], $0x80, s25, s19, $0xb8;
	[tilespmem:$0x18400] =	vst v63  }
0xe9: {  	_ = 	snop  }
0xea: {  	[tilespmem:s8], [sflag:$0x4] =	stream.indirect.gather [hbm4b:s4+s19], $0x80, s30, s19, $0xb8;
	[tilespmem:$0x18400] =	vst v63  }
0xeb: {  	_ =	swait.ge [sflag:s23], $0x4000  }
0xec: {  	[sflag:s23] =	ssyncset.done $0x0  }
0xed: {  	[sflag:s23] =	ssyncadd.s32 $0xFFFFC000  }
0xee: {  	_ =	swait.ge [sflag:s22], $0x4000  }
0xef: {  	[sflag:s22] =	ssyncset.done $0x0  }
0xf0: {  	s24 =	rddreg [dreg:$0xa];
	[sflag:s22] =	ssyncadd.s32 $0xFFFFC000  }
0xf1: {  	[hbm4b:s24+s2] =	stream.linear.scatter [tilespmem:s17], [sflag:$0x8], $0x4000, $0x38;
	[tilespmem:$0x18400] =	vst v63  }
0xf2: {  	s25 =	rddreg [dreg:$0xb]  }
0xf3: {  	[hbm4b:s25+s2] =	stream.linear.scatter [tilespmem:s18], [sflag:$0xB], $0x4000, $0x38;
	[tilespmem:$0x18400] =	vst v63  }
0xf4: {  	_ =	swait.ge [sflag:s21], $0x4000  }
0xf5: {  	[sflag:s21] =	ssyncset.done $0x0  }
0xf6: {  	[sflag:s21] =	ssyncadd.s32 $0xFFFFC000  }
0xf7: {  	_ =	swait.ge [sflag:s20], $0x4000  }
0xf8: {  	[sflag:s20] =	ssyncset.done $0x0  }
0xf9: {  	s26 =	rddreg [dreg:$0xc];
	[sflag:s20] =	ssyncadd.s32 $0xFFFFC000  }
0xfa: {  	[hbm4b:s26+s2] =	stream.linear.scatter [tilespmem:s13], [sflag:$0x9], $0x4000, $0x38;
	[tilespmem:$0x18400] =	vst v63  }
0xfb: {  	s28 =	rddreg [dreg:$0xd]  }
0xfc: {  	[hbm4b:s28+s2] =	stream.linear.scatter [tilespmem:s15], [sflag:$0xC], $0x4000, $0x38;
	[tilespmem:$0x18400] =	vst v63  }
0xfd: {  	_ =	swait.ge [sflag:s12], $0x4000  }
0xfe: {  	[sflag:s12] =	ssyncset.done $0x0  }
0xff: {  	[sflag:s12] =	ssyncadd.s32 $0xFFFFC000  }
0x100: {  	_ =	swait.ge [sflag:s9], $0x4000  }
0x101: {  	[sflag:s9] =	ssyncset.done $0x0  }
0x102: {  	s29 =	rddreg [dreg:$0xe];
	[sflag:s9] =	ssyncadd.s32 $0xFFFFC000  }
0x103: {  	[hbm4b:s29+s2] =	stream.linear.scatter [tilespmem:s7], [sflag:$0x7], $0x4000, $0x38;
	[tilespmem:$0x18400] =	vst v63  }
0x104: {  	s30 =	rddreg [dreg:$0xf]  }
0x105: {  	[hbm4b:s30+s2] =	stream.linear.scatter [tilespmem:s8], [sflag:$0xA], $0x4000, $0x38;
	[tilespmem:$0x18400] =	vst v63  }
0x106: {  	_ =	swait.ge [sflag:s16], $0x4000  }
0x107: {  	[sflag:s16] =	ssyncset.done $0x0  }
0x108: {  	[sflag:s16] =	ssyncadd.s32 $0xFFFFC000  }
0x109: {  	_ =	swait.ge [sflag:s14], $0x4000  }
0x10a: {  	[sflag:s14] =	ssyncset.done $0x0  }
0x10b: {  	[sflag:s14] =	ssyncadd.s32 $0xFFFFC000  }
0x10c: {  	_ =	swait.ge [sflag:s11], $0x4000  }
0x10d: {  	[sflag:s11] =	ssyncset.done $0x0  }
0x10e: {  	[sflag:s11] =	ssyncadd.s32 $0xFFFFC000  }
0x10f: {  	_ =	swait.ge [sflag:s10], $0x4000  }
0x110: {  	[sflag:s10] =	ssyncset.done $0x0  }
0x111: {  	[sflag:s10] =	ssyncadd.s32 $0xFFFFC000  }
0x112: {  	_ =	swait.ge [sflag:s6], $0x4000  }
0x113: {  	[sflag:s6] =	ssyncset.done $0x0  }
0x114: {  	[sflag:s6] =	ssyncadd.s32 $0xFFFFC000  }
0x115: {  	_ =	swait.ge [sflag:s5], $0x4000  }
0x116: {  	[sflag:s5] =	ssyncset.done $0x0  }
0x117: {  	[sflag:s5] =	ssyncadd.s32 $0xFFFFC000  }
0x118: {  	_ =	sfence.sel $0x180000  }
0x119: {  	[bflag:$0x0] =	sbarrier.arrive $0xFFFF  }
0x11a: {  	_ =	strace $0x90000047  }
0x11b: {  	s31 =	stileid.u32;
	[bflag:$0x2] =	sbarrier.arrive $0xFFFF  }
0x11c: {  	p0 =	sne.s32 s31, $0x0;
	s0 =	rddreg [dreg:$0x5]  }
0x11d: {  	s0 =	sadd.s32 @!p0 $0x100000, s0  }
0x11e: {  	[sflag:s0] =	ssyncadd.tile.s32 @!p0 $0x1;
	_ =	shalt  }
.LBB2_1:
.Ltmp3:
0x11f: {  	(pc) =	sbr.rel .LBB2_6-.Ltmp3, $3  }
0x120: {  	_ =	sdelay $0x1  }
0x121: {  	s24 =	simm.s32 $0x300  }
0x122: {  	s31 =	simm.s32 $0x100;
	s30 =	simm.s32 $0x380;
	s25 =	simm.s32 $0x180  }
.LBB2_3:
.Ltmp4:
0x123: {  	(pc) =	sbr.rel .LBB2_6-.Ltmp4, $3  }
0x124: {  	_ =	sdelay $0x1  }
0x125: {  	s24 =	simm.s32 $0x300  }
0x126: {  	s31 =	simm.s32 $0x100;
	s30 =	simm.s32 $0x380;
	s25 =	simm.s32 $0x180  }
.Lfunc_end2:
_tile_overlayer_lowered:
.L_overlay_start_2:
0x127: {  	(tag) =	ssettag $0x2  }
0x128: {  	s0 =	rddreg [dreg:$0x0];
	s2 =	stileid.u32  }
0x129: {  	s1 =	rddreg [dreg:$0x1];
	p0 =	sne.s32 s2, $0x0  }
0x12a: {  	s3 =	rddreg [dreg:$0x2];
	[bflag:$0x3] =	sbarrier.arrive $0xFFFF;
	s2 =	simm.s32 @!p0 $0x1C0F  }
0x12b: {  	[timem:s3], [sflag:s2] =	dma.local @!p0 [hbm:s0], s1  }
0x12c: {  	s0 =	simm.s32 @!p0 $0xF  }
0x12d: {  	_ =	swait.ge @!p0 [sflag:s0], s1  }
0x12e: {  	s1 =	ssub.s32 @!p0 $0x0, s1;
	[sflag:s0] =	ssyncset.done @!p0 $0x0  }
0x12f: {  	[sflag:s0] =	ssyncadd.s32 @!p0 s1  }
0x130: {  	[bflag:$0x3] =	sbarrier.arrive $0xFFFF  }
0x131: {  	_ =	shalt  }

</sc_bundles>
